<compile_context>
chip_gen: v7x
topology: tpu7x:2x2x1
jax: 0.10.2.dev20260603
libtpu: 0.0.44.dev20260713+nightly
codegen_flags: <defaults>
</compile_context>

<pallas_src>
import jax
import jax.numpy as jnp
from jax import lax
from jax.experimental import pallas as pl
from jax.experimental.pallas import tpu as pltpu
from jax.experimental.pallas import tpu_sc as plsc

B, L, V, D, H, C = 4096, 50, 100000, 128, 300, 1000

NC, NS = 2, 16
NW = NC * NS
BW = B // NW
SPC = 2
CHUNK = SPC * L
NCHUNK = BW // SPC
NREG = D // 16
NBUF = 4


def _sc_body(idx_hbm, table_hbm, out_hbm, idx_v, rows_v, sums_v,
             sem0, sem1, sem2, sem3):
    wid = lax.axis_index("s") * NC + lax.axis_index("c")
    pltpu.sync_copy(idx_hbm.at[wid], idx_v)
    sems = (sem0, sem1, sem2, sem3)

    def copy(c, buf):
        return pltpu.make_async_copy(
            table_hbm.at[idx_v.at[c]], rows_v.at[buf], sems[buf])

    def accum_sample(buf, c, s_local):
        base = s_local * L

        def body(r, acc):
            return tuple(acc[j] + rows_v[buf, base + r, pl.ds(16 * j, 16)]
                         for j in range(NREG))

        acc = lax.fori_loop(
            0, L, body,
            tuple(jnp.zeros((16,), jnp.float32) for _ in range(NREG)))
        sample = c * SPC + s_local
        for j in range(NREG):
            sums_v[sample, pl.ds(16 * j, 16)] = acc[j]

    for b in range(NBUF - 1):
        copy(b, b).start()

    def group_body(i, _):
        for buf in range(NBUF):
            c = NBUF * i + buf
            copy(c, buf).wait()

            @pl.when(c + NBUF - 1 < NCHUNK)
            def _():
                copy(c + NBUF - 1, (buf + NBUF - 1) % NBUF).start()

            for s in range(SPC):
                accum_sample(buf, c, s)
        return 0

    lax.fori_loop(0, NCHUNK // NBUF, group_body, 0)
    pltpu.sync_copy(sums_v, out_hbm.at[pl.ds(wid * BW, BW)])


def _sc_gather_sums(idx3, table):
    mesh = plsc.VectorSubcoreMesh(core_axis_name="c", subcore_axis_name="s")
    return pl.kernel(
        _sc_body,
        out_type=jax.ShapeDtypeStruct((B, D), jnp.float32),
        mesh=mesh,
        scratch_types=[
            pltpu.VMEM((NCHUNK, CHUNK), jnp.int32),
            pltpu.VMEM((NBUF, CHUNK, D), jnp.float32),
            pltpu.VMEM((BW, D), jnp.float32),
        ] + [pltpu.SemaphoreType.DMA] * NBUF,
    )(idx3, table)


def _mlp_body(inp_ref, sums_ref, W1_ref, b1_ref, W2_ref, b2_ref, out_ref):
    cnt = jnp.sum((inp_ref[...] != 0).astype(jnp.float32), axis=1,
                  keepdims=True)
    avg = sums_ref[...] / jnp.maximum(cnt, 1.0)
    hT = lax.dot_general(W1_ref[...], avg, (((1,), (1,)), ((), ())),
                         preferred_element_type=jnp.float32) + b1_ref[...]
    hT = jnp.maximum(hT, 0.0)
    out_ref[...] = lax.dot_general(W2_ref[...], hT, (((1,), (0,)), ((), ())),
                                   preferred_element_type=jnp.float32
                                   ) + b2_ref[...]


def _mlp(inputs, sums, W1, b1, W2, b2):
    Bm = 2048
    grid = (B // Bm,)
    return pl.pallas_call(
        _mlp_body,
        grid=grid,
        in_specs=[
            pl.BlockSpec((Bm, L), lambda i: (i, 0)),
            pl.BlockSpec((Bm, D), lambda i: (i, 0)),
            pl.BlockSpec((H, D), lambda i: (0, 0)),
            pl.BlockSpec((H, 1), lambda i: (0, 0)),
            pl.BlockSpec((C, H), lambda i: (0, 0)),
            pl.BlockSpec((C, 1), lambda i: (0, 0)),
        ],
        out_specs=pl.BlockSpec((C, Bm), lambda i: (0, i)),
        out_shape=jax.ShapeDtypeStruct((C, B), jnp.float32),
    )(inputs, sums, W1, b1, W2, b2)


@jax.jit
def _run(inputs, table, W1, b1, W2, b2):
    idx3 = inputs.reshape(NW, NCHUNK, CHUNK)
    sums = _sc_gather_sums(idx3, table)
    return _mlp(inputs, sums, W1, b1, W2, b2).T


def kernel(inputs, table, W1, b1, W2, b2):
    return _run(inputs, table, W1, b1.reshape(H, 1), W2, b2.reshape(C, 1))

# --- scband reference (transcript-rebuilt; emitter-appended) ---
"""Pipeline reference for scband-one-layer-mlp-51496657879062 (READ-ONLY COPY).

The authoritative reference and input builder live on the scoring server;
editing this copy changes nothing except your own understanding.
"""

import jax, jax.numpy as jnp
import numpy as np

B, L, V, D, H, C = 4096, 50, 100000, 128, 300, 1000


def setup_inputs(seed: int = 0) -> dict:
    key = jax.random.key(seed)
    k1, k2, k3, k4 = jax.random.split(key, 4)
    inputs = jax.random.randint(k1, (B, L), 0, V, dtype=jnp.int64 if jax.config.jax_enable_x64 else jnp.int32).astype(jnp.int32)
    table = jax.random.normal(k2, (V, D), dtype=jnp.float32) * 0.02
    table = table.at[0].set(0.0)  # padding_idx=0 row is all-zero, matching nn.Embedding(padding_idx=0)
    W1 = jax.random.normal(k3, (H, D), dtype=jnp.float32) * (1.0 / np.sqrt(D))
    b1 = jnp.zeros((H,), dtype=jnp.float32)
    W2 = jax.random.normal(k4, (C, H), dtype=jnp.float32) * (1.0 / np.sqrt(H))
    b2 = jnp.zeros((C,), dtype=jnp.float32)
    return {"inputs": inputs, "table": table, "W1": W1, "b1": b1, "W2": W2, "b2": b2}


def reference(inputs, table, W1, b1, W2, b2):
    # embedding lookup (gather)
    emb = jnp.take(table, inputs, axis=0)  # [B, L, D]
    # per-sample: keep rows where any element != 0, mean over them; zeros if none
    mask = jnp.any(emb != 0, axis=-1)  # [B, L] bool
    maskf = mask.astype(emb.dtype)
    cnt = jnp.sum(maskf, axis=1, keepdims=True)  # [B, 1]
    summed = jnp.sum(emb * maskf[..., None], axis=1)  # [B, D]
    avg = jnp.where(cnt > 0, summed / jnp.maximum(cnt, 1.0), 0.0)  # [B, D]
    # one-layer MLP: Linear -> ReLU -> Linear
    h = jax.nn.relu(avg @ W1.T + b1)
    out = h @ W2.T + b2
    return out

if __name__ == "__main__":
    import jax
    _d = setup_inputs()
    print(jax.jit(kernel)(*tuple(_d.values())))

</pallas_src>

<mosaic_0001>
#map = affine_map<(d0, d1) -> (0, 0, 0)>
#map1 = affine_map<(d0, d1) -> (0, 0)>
module attributes {stable_mosaic.version = 14 : i64} {
  func.func @_sc_body(%arg0: i32, %arg1: i32, %arg2: memref<32x64x100xi32, #tpu.memory_space<hbm>>, %arg3: memref<100000x128xf32, #tpu.memory_space<hbm>>, %arg4: memref<4096x128xf32, #tpu.memory_space<hbm>>, %arg5: memref<64x100xi32, #tpu.memory_space<vmem>>, %arg6: memref<4x100x128xf32, #tpu.memory_space<vmem>>, %arg7: memref<128x128xf32, #tpu.memory_space<vmem>>, %arg8: memref<!tpu.dma_semaphore, #tpu.memory_space<semaphore_mem>>, %arg9: memref<!tpu.dma_semaphore, #tpu.memory_space<semaphore_mem>>, %arg10: memref<!tpu.dma_semaphore, #tpu.memory_space<semaphore_mem>>, %arg11: memref<!tpu.dma_semaphore, #tpu.memory_space<semaphore_mem>>) attributes {dimension_semantics = [#tpu.dimension_semantics<core_parallel>, #tpu.dimension_semantics<subcore_parallel>], iteration_bounds = array<i64: 2, 16>, scalar_prefetch = 0 : i64, scratch_operands = 7 : i64, tpu.core_type = #tpu.core_type<sc_vector_subcore>, window_params = [{transform_indices = #map}, {transform_indices = #map1}, {transform_indices = #map1}]} {
    %mul3A = arith.constant 2 : i32
    %mul3A_0 = arith.muli %arg1, %mul3A : i32
    %add3A = arith.addi %mul3A_0, %arg0 : i32
    "tpu.region"() ({
      %run_scoped3A = tpu.sem_alloc : memref<!tpu.dma_semaphore, #tpu.memory_space<semaphore_mem>>
      %dma_start3A_44 = arith.constant 0 : i32
      %dma_start3A_45 = arith.constant 0 : i32
      %dma_start3A_46 = tpu.memref_slice %arg2[%add3A, %dma_start3A_44, %dma_start3A_45] : memref<32x64x100xi32, #tpu.memory_space<hbm>> -> memref<1x64x100xi32, #tpu.memory_space<hbm>>
      %dma_start3A_47 = tpu.memref_squeeze %dma_start3A_46 : memref<1x64x100xi32, #tpu.memory_space<hbm>> -> memref<64x100xi32, #tpu.memory_space<hbm>>
      %dma_start3A_48 = arith.constant 0 : i32
      %dma_start3A_49 = arith.constant 0 : i32
      %dma_start3A_50 = tpu.memref_slice %arg2[%add3A, %dma_start3A_48, %dma_start3A_49] : memref<32x64x100xi32, #tpu.memory_space<hbm>> -> memref<1x64x100xi32, #tpu.memory_space<hbm>>
      %dma_start3A_51 = tpu.memref_squeeze %dma_start3A_50 : memref<1x64x100xi32, #tpu.memory_space<hbm>> -> memref<64x100xi32, #tpu.memory_space<hbm>>
      tpu.enqueue_dma source(%dma_start3A_51 : memref<64x100xi32, #tpu.memory_space<hbm>>) target(%arg5 : memref<64x100xi32, #tpu.memory_space<vmem>>) target_semaphore(%run_scoped3A : memref<!tpu.dma_semaphore, #tpu.memory_space<semaphore_mem>>)
      %dma_wait3A = arith.constant 0 : i32
      %dma_wait3A_52 = arith.constant 0 : i32
      %dma_wait3A_53 = tpu.memref_slice %arg2[%add3A, %dma_wait3A, %dma_wait3A_52] : memref<32x64x100xi32, #tpu.memory_space<hbm>> -> memref<1x64x100xi32, #tpu.memory_space<hbm>>
      %dma_wait3A_54 = tpu.memref_squeeze %dma_wait3A_53 : memref<1x64x100xi32, #tpu.memory_space<hbm>> -> memref<64x100xi32, #tpu.memory_space<hbm>>
      %dma_wait3A_55 = arith.constant 0 : i32
      %dma_wait3A_56 = arith.constant 0 : i32
      %dma_wait3A_57 = tpu.memref_slice %arg2[%add3A, %dma_wait3A_55, %dma_wait3A_56] : memref<32x64x100xi32, #tpu.memory_space<hbm>> -> memref<1x64x100xi32, #tpu.memory_space<hbm>>
      %dma_wait3A_58 = tpu.memref_squeeze %dma_wait3A_57 : memref<1x64x100xi32, #tpu.memory_space<hbm>> -> memref<64x100xi32, #tpu.memory_space<hbm>>
      tpu.wait_dma2 semaphore(%run_scoped3A : memref<!tpu.dma_semaphore, #tpu.memory_space<semaphore_mem>>) src(%dma_wait3A_58 : memref<64x100xi32, #tpu.memory_space<hbm>>) dst(%arg5 : memref<64x100xi32, #tpu.memory_space<vmem>>)
      tpu.yield
    }) : () -> ()
    %dma_start3A = arith.constant 0 : i32
    %dma_start3A_1 = arith.constant 0 : i32
    %dma_start3A_2 = arith.constant 0 : i32
    %dma_start3A_3 = arith.constant 0 : i32
    %dma_start3A_4 = tpu.memref_slice %arg6[%dma_start3A_1, %dma_start3A_2, %dma_start3A_3] : memref<4x100x128xf32, #tpu.memory_space<vmem>> -> memref<1x100x128xf32, #tpu.memory_space<vmem>>
    %dma_start3A_5 = tpu.memref_squeeze %dma_start3A_4 : memref<1x100x128xf32, #tpu.memory_space<vmem>> -> memref<100x128xf32, #tpu.memory_space<vmem>>
    %dma_start3A_6 = arith.constant 0 : i32
    %dma_start3A_7 = tpu.memref_slice %arg5[%dma_start3A, %dma_start3A_6] : memref<64x100xi32, #tpu.memory_space<vmem>> -> memref<1x100xi32, #tpu.memory_space<vmem>>
    %dma_start3A_8 = tpu.memref_squeeze %dma_start3A_7 : memref<1x100xi32, #tpu.memory_space<vmem>> -> memref<100xi32, #tpu.memory_space<vmem>>
    %dma_start3A_9 = arith.constant 0 : i32
    %dma_start3A_10 = arith.constant 0 : i32
    %dma_start3A_11 = tpu.memref_slice %arg3[%dma_start3A_9, %dma_start3A_10] : memref<100000x128xf32, #tpu.memory_space<hbm>> -> memref<100000x128xf32, #tpu.memory_space<hbm>>
    tpu.enqueue_indirect_dma source(%dma_start3A_11 : memref<100000x128xf32, #tpu.memory_space<hbm>>) target(%dma_start3A_5 : memref<100x128xf32, #tpu.memory_space<vmem>>) offsets(%dma_start3A_8 : memref<100xi32, #tpu.memory_space<vmem>>) semaphore(%arg8 : memref<!tpu.dma_semaphore, #tpu.memory_space<semaphore_mem>>)
    %dma_start3A_12 = arith.constant 1 : i32
    %dma_start3A_13 = arith.constant 1 : i32
    %dma_start3A_14 = arith.constant 0 : i32
    %dma_start3A_15 = arith.constant 0 : i32
    %dma_start3A_16 = tpu.memref_slice %arg6[%dma_start3A_13, %dma_start3A_14, %dma_start3A_15] : memref<4x100x128xf32, #tpu.memory_space<vmem>> -> memref<1x100x128xf32, #tpu.memory_space<vmem>>
    %dma_start3A_17 = tpu.memref_squeeze %dma_start3A_16 : memref<1x100x128xf32, #tpu.memory_space<vmem>> -> memref<100x128xf32, #tpu.memory_space<vmem>>
    %dma_start3A_18 = arith.constant 0 : i32
    %dma_start3A_19 = tpu.memref_slice %arg5[%dma_start3A_12, %dma_start3A_18] : memref<64x100xi32, #tpu.memory_space<vmem>> -> memref<1x100xi32, #tpu.memory_space<vmem>>
    %dma_start3A_20 = tpu.memref_squeeze %dma_start3A_19 : memref<1x100xi32, #tpu.memory_space<vmem>> -> memref<100xi32, #tpu.memory_space<vmem>>
    %dma_start3A_21 = arith.constant 0 : i32
    %dma_start3A_22 = arith.constant 0 : i32
    %dma_start3A_23 = tpu.memref_slice %arg3[%dma_start3A_21, %dma_start3A_22] : memref<100000x128xf32, #tpu.memory_space<hbm>> -> memref<100000x128xf32, #tpu.memory_space<hbm>>
    tpu.enqueue_indirect_dma source(%dma_start3A_23 : memref<100000x128xf32, #tpu.memory_space<hbm>>) target(%dma_start3A_17 : memref<100x128xf32, #tpu.memory_space<vmem>>) offsets(%dma_start3A_20 : memref<100xi32, #tpu.memory_space<vmem>>) semaphore(%arg9 : memref<!tpu.dma_semaphore, #tpu.memory_space<semaphore_mem>>)
    %dma_start3A_24 = arith.constant 2 : i32
    %dma_start3A_25 = arith.constant 2 : i32
    %dma_start3A_26 = arith.constant 0 : i32
    %dma_start3A_27 = arith.constant 0 : i32
    %dma_start3A_28 = tpu.memref_slice %arg6[%dma_start3A_25, %dma_start3A_26, %dma_start3A_27] : memref<4x100x128xf32, #tpu.memory_space<vmem>> -> memref<1x100x128xf32, #tpu.memory_space<vmem>>
    %dma_start3A_29 = tpu.memref_squeeze %dma_start3A_28 : memref<1x100x128xf32, #tpu.memory_space<vmem>> -> memref<100x128xf32, #tpu.memory_space<vmem>>
    %dma_start3A_30 = arith.constant 0 : i32
    %dma_start3A_31 = tpu.memref_slice %arg5[%dma_start3A_24, %dma_start3A_30] : memref<64x100xi32, #tpu.memory_space<vmem>> -> memref<1x100xi32, #tpu.memory_space<vmem>>
    %dma_start3A_32 = tpu.memref_squeeze %dma_start3A_31 : memref<1x100xi32, #tpu.memory_space<vmem>> -> memref<100xi32, #tpu.memory_space<vmem>>
    %dma_start3A_33 = arith.constant 0 : i32
    %dma_start3A_34 = arith.constant 0 : i32
    %dma_start3A_35 = tpu.memref_slice %arg3[%dma_start3A_33, %dma_start3A_34] : memref<100000x128xf32, #tpu.memory_space<hbm>> -> memref<100000x128xf32, #tpu.memory_space<hbm>>
    tpu.enqueue_indirect_dma source(%dma_start3A_35 : memref<100000x128xf32, #tpu.memory_space<hbm>>) target(%dma_start3A_29 : memref<100x128xf32, #tpu.memory_space<vmem>>) offsets(%dma_start3A_32 : memref<100xi32, #tpu.memory_space<vmem>>) semaphore(%arg10 : memref<!tpu.dma_semaphore, #tpu.memory_space<semaphore_mem>>)
    %scan3A = arith.constant 0 : i32
    %scan3A_36 = arith.constant 0 : i32
    %scan3A_37 = arith.constant 16 : i32
    %scan3A_38 = arith.addi %scan3A_36, %scan3A_37 : i32
    %scan3A_39 = arith.constant 1 : i32
    %scan3A_40 = scf.for %scan3A_44 = %scan3A_36 to %scan3A_38 step %scan3A_39 iter_args(%scan3A_45 = %scan3A) -> (i32)  : i32 {
      %mul3A_46 = arith.constant 4 : i32
      %mul3A_47 = arith.muli %mul3A_46, %scan3A_44 : i32
      %add3A_48 = arith.constant 0 : i32
      %add3A_49 = arith.addi %mul3A_47, %add3A_48 : i32
      %dma_wait3A = arith.constant 0 : i32
      %dma_wait3A_50 = arith.constant 0 : i32
      %dma_wait3A_51 = arith.constant 0 : i32
      %dma_wait3A_52 = tpu.memref_slice %arg6[%dma_wait3A, %dma_wait3A_50, %dma_wait3A_51] : memref<4x100x128xf32, #tpu.memory_space<vmem>> -> memref<1x100x128xf32, #tpu.memory_space<vmem>>
      %dma_wait3A_53 = tpu.memref_squeeze %dma_wait3A_52 : memref<1x100x128xf32, #tpu.memory_space<vmem>> -> memref<100x128xf32, #tpu.memory_space<vmem>>
      %dma_wait3A_54 = arith.constant 0 : i32
      %dma_wait3A_55 = tpu.memref_slice %arg5[%add3A_49, %dma_wait3A_54] : memref<64x100xi32, #tpu.memory_space<vmem>> -> memref<1x100xi32, #tpu.memory_space<vmem>>
      %dma_wait3A_56 = tpu.memref_squeeze %dma_wait3A_55 : memref<1x100xi32, #tpu.memory_space<vmem>> -> memref<100xi32, #tpu.memory_space<vmem>>
      %dma_wait3A_57 = arith.constant 0 : i32
      %dma_wait3A_58 = arith.constant 0 : i32
      %dma_wait3A_59 = tpu.memref_slice %arg3[%dma_wait3A_57, %dma_wait3A_58] : memref<100000x128xf32, #tpu.memory_space<hbm>> -> memref<100000x128xf32, #tpu.memory_space<hbm>>
      tpu.wait_indirect_dma semaphore(%arg8 : memref<!tpu.dma_semaphore, #tpu.memory_space<semaphore_mem>>) src(%dma_wait3A_59 : memref<100000x128xf32, #tpu.memory_space<hbm>>) dst(%dma_wait3A_53 : memref<100x128xf32, #tpu.memory_space<vmem>>)
      %add3A_60 = arith.constant 4 : i32
      %add3A_61 = arith.addi %add3A_49, %add3A_60 : i32
      %sub3A = arith.constant 1 : i32
      %sub3A_62 = arith.subi %add3A_61, %sub3A : i32
      %lt3A = arith.constant 64 : i32
      %lt3A_63 = arith.cmpi slt, %sub3A_62, %lt3A : i32
      %convert_element_type3A = arith.extui %lt3A_63 : i1 to i32
      %cond3A = arith.constant 0 : i32
      %cond3A_64 = arith.cmpi ne, %convert_element_type3A, %cond3A : i32
      scf.if %cond3A_64 {
        %add3A_664 = arith.constant 4 : i32
        %add3A_665 = arith.addi %add3A_49, %add3A_664 : i32
        %sub3A_666 = arith.constant 1 : i32
        %sub3A_667 = arith.subi %add3A_665, %sub3A_666 : i32
        %dma_start3A_668 = arith.constant 3 : i32
        %dma_start3A_669 = arith.constant 0 : i32
        %dma_start3A_670 = arith.constant 0 : i32
        %dma_start3A_671 = tpu.memref_slice %arg6[%dma_start3A_668, %dma_start3A_669, %dma_start3A_670] : memref<4x100x128xf32, #tpu.memory_space<vmem>> -> memref<1x100x128xf32, #tpu.memory_space<vmem>>
        %dma_start3A_672 = tpu.memref_squeeze %dma_start3A_671 : memref<1x100x128xf32, #tpu.memory_space<vmem>> -> memref<100x128xf32, #tpu.memory_space<vmem>>
        %dma_start3A_673 = arith.constant 0 : i32
        %dma_start3A_674 = tpu.memref_slice %arg5[%sub3A_667, %dma_start3A_673] : memref<64x100xi32, #tpu.memory_space<vmem>> -> memref<1x100xi32, #tpu.memory_space<vmem>>
        %dma_start3A_675 = tpu.memref_squeeze %dma_start3A_674 : memref<1x100xi32, #tpu.memory_space<vmem>> -> memref<100xi32, #tpu.memory_space<vmem>>
        %dma_start3A_676 = arith.constant 0 : i32
        %dma_start3A_677 = arith.constant 0 : i32
        %dma_start3A_678 = tpu.memref_slice %arg3[%dma_start3A_676, %dma_start3A_677] : memref<100000x128xf32, #tpu.memory_space<hbm>> -> memref<100000x128xf32, #tpu.memory_space<hbm>>
        tpu.enqueue_indirect_dma source(%dma_start3A_678 : memref<100000x128xf32, #tpu.memory_space<hbm>>) target(%dma_start3A_672 : memref<100x128xf32, #tpu.memory_space<vmem>>) offsets(%dma_start3A_675 : memref<100xi32, #tpu.memory_space<vmem>>) semaphore(%arg11 : memref<!tpu.dma_semaphore, #tpu.memory_space<semaphore_mem>>)
      } else {
      }
      %broadcast_in_dim3A = arith.constant 0.000000e+00 : f32
      %broadcast_in_dim3A_65 = vector.broadcast %broadcast_in_dim3A : f32 to vector<16xf32>
      %broadcast_in_dim3A_66 = arith.constant 0.000000e+00 : f32
      %broadcast_in_dim3A_67 = vector.broadcast %broadcast_in_dim3A_66 : f32 to vector<16xf32>
      %broadcast_in_dim3A_68 = arith.constant 0.000000e+00 : f32
      %broadcast_in_dim3A_69 = vector.broadcast %broadcast_in_dim3A_68 : f32 to vector<16xf32>
      %broadcast_in_dim3A_70 = arith.constant 0.000000e+00 : f32
      %broadcast_in_dim3A_71 = vector.broadcast %broadcast_in_dim3A_70 : f32 to vector<16xf32>
      %broadcast_in_dim3A_72 = arith.constant 0.000000e+00 : f32
      %broadcast_in_dim3A_73 = vector.broadcast %broadcast_in_dim3A_72 : f32 to vector<16xf32>
      %broadcast_in_dim3A_74 = arith.constant 0.000000e+00 : f32
      %broadcast_in_dim3A_75 = vector.broadcast %broadcast_in_dim3A_74 : f32 to vector<16xf32>
      %broadcast_in_dim3A_76 = arith.constant 0.000000e+00 : f32
      %broadcast_in_dim3A_77 = vector.broadcast %broadcast_in_dim3A_76 : f32 to vector<16xf32>
      %broadcast_in_dim3A_78 = arith.constant 0.000000e+00 : f32
      %broadcast_in_dim3A_79 = vector.broadcast %broadcast_in_dim3A_78 : f32 to vector<16xf32>
      %scan3A_80 = arith.constant 0 : i32
      %scan3A_81 = arith.constant 50 : i32
      %scan3A_82 = arith.addi %scan3A_80, %scan3A_81 : i32
      %scan3A_83 = arith.constant 1 : i32
      %scan3A_84:8 = scf.for %scan3A_664 = %scan3A_80 to %scan3A_82 step %scan3A_83 iter_args(%scan3A_665 = %broadcast_in_dim3A_65, %scan3A_666 = %broadcast_in_dim3A_67, %scan3A_667 = %broadcast_in_dim3A_69, %scan3A_668 = %broadcast_in_dim3A_71, %scan3A_669 = %broadcast_in_dim3A_73, %scan3A_670 = %broadcast_in_dim3A_75, %scan3A_671 = %broadcast_in_dim3A_77, %scan3A_672 = %broadcast_in_dim3A_79) -> (vector<16xf32>, vector<16xf32>, vector<16xf32>, vector<16xf32>, vector<16xf32>, vector<16xf32>, vector<16xf32>, vector<16xf32>)  : i32 {
        %add3A_673 = arith.constant 0 : i32
        %add3A_674 = arith.addi %add3A_673, %scan3A_664 : i32
        %get3A = arith.constant 0 : i32
        %get3A_675 = arith.index_cast %get3A : i32 to index
        %get3A_676 = arith.index_cast %add3A_674 : i32 to index
        %get3A_677 = arith.constant 0 : index
        %get3A_678 = tpu.vector_load %arg6[%get3A_675, %get3A_676, %get3A_677] {strides = array<i32>} : memref<4x100x128xf32, #tpu.memory_space<vmem>>, vector<1x1x16xf32>,
        %get3A_679 = vector.shape_cast %get3A_678 : vector<1x1x16xf32> to vector<16xf32>
        %add3A_680 = arith.addf %scan3A_665, %get3A_679 : vector<16xf32>
        %add3A_681 = arith.constant 0 : i32
        %add3A_682 = arith.addi %add3A_681, %scan3A_664 : i32
        %get3A_683 = arith.constant 0 : i32
        %get3A_684 = arith.index_cast %get3A_683 : i32 to index
        %get3A_685 = arith.index_cast %add3A_682 : i32 to index
        %get3A_686 = arith.constant 16 : index
        %get3A_687 = tpu.vector_load %arg6[%get3A_684, %get3A_685, %get3A_686] {strides = array<i32>} : memref<4x100x128xf32, #tpu.memory_space<vmem>>, vector<1x1x16xf32>,
        %get3A_688 = vector.shape_cast %get3A_687 : vector<1x1x16xf32> to vector<16xf32>
        %add3A_689 = arith.addf %scan3A_666, %get3A_688 : vector<16xf32>
        %add3A_690 = arith.constant 0 : i32
        %add3A_691 = arith.addi %add3A_690, %scan3A_664 : i32
        %get3A_692 = arith.constant 0 : i32
        %get3A_693 = arith.index_cast %get3A_692 : i32 to index
        %get3A_694 = arith.index_cast %add3A_691 : i32 to index
        %get3A_695 = arith.constant 32 : index
        %get3A_696 = tpu.vector_load %arg6[%get3A_693, %get3A_694, %get3A_695] {strides = array<i32>} : memref<4x100x128xf32, #tpu.memory_space<vmem>>, vector<1x1x16xf32>,
        %get3A_697 = vector.shape_cast %get3A_696 : vector<1x1x16xf32> to vector<16xf32>
        %add3A_698 = arith.addf %scan3A_667, %get3A_697 : vector<16xf32>
        %add3A_699 = arith.constant 0 : i32
        %add3A_700 = arith.addi %add3A_699, %scan3A_664 : i32
        %get3A_701 = arith.constant 0 : i32
        %get3A_702 = arith.index_cast %get3A_701 : i32 to index
        %get3A_703 = arith.index_cast %add3A_700 : i32 to index
        %get3A_704 = arith.constant 48 : index
        %get3A_705 = tpu.vector_load %arg6[%get3A_702, %get3A_703, %get3A_704] {strides = array<i32>} : memref<4x100x128xf32, #tpu.memory_space<vmem>>, vector<1x1x16xf32>,
        %get3A_706 = vector.shape_cast %get3A_705 : vector<1x1x16xf32> to vector<16xf32>
        %add3A_707 = arith.addf %scan3A_668, %get3A_706 : vector<16xf32>
        %add3A_708 = arith.constant 0 : i32
        %add3A_709 = arith.addi %add3A_708, %scan3A_664 : i32
        %get3A_710 = arith.constant 0 : i32
        %get3A_711 = arith.index_cast %get3A_710 : i32 to index
        %get3A_712 = arith.index_cast %add3A_709 : i32 to index
        %get3A_713 = arith.constant 64 : index
        %get3A_714 = tpu.vector_load %arg6[%get3A_711, %get3A_712, %get3A_713] {strides = array<i32>} : memref<4x100x128xf32, #tpu.memory_space<vmem>>, vector<1x1x16xf32>,
        %get3A_715 = vector.shape_cast %get3A_714 : vector<1x1x16xf32> to vector<16xf32>
        %add3A_716 = arith.addf %scan3A_669, %get3A_715 : vector<16xf32>
        %add3A_717 = arith.constant 0 : i32
        %add3A_718 = arith.addi %add3A_717, %scan3A_664 : i32
        %get3A_719 = arith.constant 0 : i32
        %get3A_720 = arith.index_cast %get3A_719 : i32 to index
        %get3A_721 = arith.index_cast %add3A_718 : i32 to index
        %get3A_722 = arith.constant 80 : index
        %get3A_723 = tpu.vector_load %arg6[%get3A_720, %get3A_721, %get3A_722] {strides = array<i32>} : memref<4x100x128xf32, #tpu.memory_space<vmem>>, vector<1x1x16xf32>,
        %get3A_724 = vector.shape_cast %get3A_723 : vector<1x1x16xf32> to vector<16xf32>
        %add3A_725 = arith.addf %scan3A_670, %get3A_724 : vector<16xf32>
        %add3A_726 = arith.constant 0 : i32
        %add3A_727 = arith.addi %add3A_726, %scan3A_664 : i32
        %get3A_728 = arith.constant 0 : i32
        %get3A_729 = arith.index_cast %get3A_728 : i32 to index
        %get3A_730 = arith.index_cast %add3A_727 : i32 to index
        %get3A_731 = arith.constant 96 : index
        %get3A_732 = tpu.vector_load %arg6[%get3A_729, %get3A_730, %get3A_731] {strides = array<i32>} : memref<4x100x128xf32, #tpu.memory_space<vmem>>, vector<1x1x16xf32>,
        %get3A_733 = vector.shape_cast %get3A_732 : vector<1x1x16xf32> to vector<16xf32>
        %add3A_734 = arith.addf %scan3A_671, %get3A_733 : vector<16xf32>
        %add3A_735 = arith.constant 0 : i32
        %add3A_736 = arith.addi %add3A_735, %scan3A_664 : i32
        %get3A_737 = arith.constant 0 : i32
        %get3A_738 = arith.index_cast %get3A_737 : i32 to index
        %get3A_739 = arith.index_cast %add3A_736 : i32 to index
        %get3A_740 = arith.constant 112 : index
        %get3A_741 = tpu.vector_load %arg6[%get3A_738, %get3A_739, %get3A_740] {strides = array<i32>} : memref<4x100x128xf32, #tpu.memory_space<vmem>>, vector<1x1x16xf32>,
        %get3A_742 = vector.shape_cast %get3A_741 : vector<1x1x16xf32> to vector<16xf32>
        %add3A_743 = arith.addf %scan3A_672, %get3A_742 : vector<16xf32>
        scf.yield %add3A_680, %add3A_689, %add3A_698, %add3A_707, %add3A_716, %add3A_725, %add3A_734, %add3A_743 : vector<16xf32>, vector<16xf32>, vector<16xf32>, vector<16xf32>, vector<16xf32>, vector<16xf32>, vector<16xf32>, vector<16xf32>
      }
      %scan3A_85 = arith.constant 50 : i32
      %mul3A_86 = arith.constant 2 : i32
      %mul3A_87 = arith.muli %add3A_49, %mul3A_86 : i32
      %add3A_88 = arith.constant 0 : i32
      %add3A_89 = arith.addi %mul3A_87, %add3A_88 : i32
      %swap3A = arith.index_cast %add3A_89 : i32 to index
      %swap3A_90 = arith.constant 0 : index
      %swap3A_91 = tpu.vector_load %arg7[%swap3A, %swap3A_90] {strides = array<i32>} : memref<128x128xf32, #tpu.memory_space<vmem>>, vector<1x16xf32>,
      %swap3A_92 = vector.shape_cast %swap3A_91 : vector<1x16xf32> to vector<16xf32>
      %swap3A_93 = vector.shape_cast %scan3A_84#0 : vector<16xf32> to vector<1x16xf32>
      tpu.vector_store %arg7[%swap3A, %swap3A_90], %swap3A_93 {strides = array<i32>} : memref<128x128xf32, #tpu.memory_space<vmem>>, vector<1x16xf32>,
      %swap3A_94 = arith.index_cast %add3A_89 : i32 to index
      %swap3A_95 = arith.constant 16 : index
      %swap3A_96 = tpu.vector_load %arg7[%swap3A_94, %swap3A_95] {strides = array<i32>} : memref<128x128xf32, #tpu.memory_space<vmem>>, vector<1x16xf32>,
      %swap3A_97 = vector.shape_cast %swap3A_96 : vector<1x16xf32> to vector<16xf32>
      %swap3A_98 = vector.shape_cast %scan3A_84#1 : vector<16xf32> to vector<1x16xf32>
      tpu.vector_store %arg7[%swap3A_94, %swap3A_95], %swap3A_98 {strides = array<i32>} : memref<128x128xf32, #tpu.memory_space<vmem>>, vector<1x16xf32>,
      %swap3A_99 = arith.index_cast %add3A_89 : i32 to index
      %swap3A_100 = arith.constant 32 : index
      %swap3A_101 = tpu.vector_load %arg7[%swap3A_99, %swap3A_100] {strides = array<i32>} : memref<128x128xf32, #tpu.memory_space<vmem>>, vector<1x16xf32>,
      %swap3A_102 = vector.shape_cast %swap3A_101 : vector<1x16xf32> to vector<16xf32>
      %swap3A_103 = vector.shape_cast %scan3A_84#2 : vector<16xf32> to vector<1x16xf32>
      tpu.vector_store %arg7[%swap3A_99, %swap3A_100], %swap3A_103 {strides = array<i32>} : memref<128x128xf32, #tpu.memory_space<vmem>>, vector<1x16xf32>,
      %swap3A_104 = arith.index_cast %add3A_89 : i32 to index
      %swap3A_105 = arith.constant 48 : index
      %swap3A_106 = tpu.vector_load %arg7[%swap3A_104, %swap3A_105] {strides = array<i32>} : memref<128x128xf32, #tpu.memory_space<vmem>>, vector<1x16xf32>,
      %swap3A_107 = vector.shape_cast %swap3A_106 : vector<1x16xf32> to vector<16xf32>
      %swap3A_108 = vector.shape_cast %scan3A_84#3 : vector<16xf32> to vector<1x16xf32>
      tpu.vector_store %arg7[%swap3A_104, %swap3A_105], %swap3A_108 {strides = array<i32>} : memref<128x128xf32, #tpu.memory_space<vmem>>, vector<1x16xf32>,
      %swap3A_109 = arith.index_cast %add3A_89 : i32 to index
      %swap3A_110 = arith.constant 64 : index
      %swap3A_111 = tpu.vector_load %arg7[%swap3A_109, %swap3A_110] {strides = array<i32>} : memref<128x128xf32, #tpu.memory_space<vmem>>, vector<1x16xf32>,
      %swap3A_112 = vector.shape_cast %swap3A_111 : vector<1x16xf32> to vector<16xf32>
      %swap3A_113 = vector.shape_cast %scan3A_84#4 : vector<16xf32> to vector<1x16xf32>
      tpu.vector_store %arg7[%swap3A_109, %swap3A_110], %swap3A_113 {strides = array<i32>} : memref<128x128xf32, #tpu.memory_space<vmem>>, vector<1x16xf32>,
      %swap3A_114 = arith.index_cast %add3A_89 : i32 to index
      %swap3A_115 = arith.constant 80 : index
      %swap3A_116 = tpu.vector_load %arg7[%swap3A_114, %swap3A_115] {strides = array<i32>} : memref<128x128xf32, #tpu.memory_space<vmem>>, vector<1x16xf32>,
      %swap3A_117 = vector.shape_cast %swap3A_116 : vector<1x16xf32> to vector<16xf32>
      %swap3A_118 = vector.shape_cast %scan3A_84#5 : vector<16xf32> to vector<1x16xf32>
      tpu.vector_store %arg7[%swap3A_114, %swap3A_115], %swap3A_118 {strides = array<i32>} : memref<128x128xf32, #tpu.memory_space<vmem>>, vector<1x16xf32>,
      %swap3A_119 = arith.index_cast %add3A_89 : i32 to index
      %swap3A_120 = arith.constant 96 : index
      %swap3A_121 = tpu.vector_load %arg7[%swap3A_119, %swap3A_120] {strides = array<i32>} : memref<128x128xf32, #tpu.memory_space<vmem>>, vector<1x16xf32>,
      %swap3A_122 = vector.shape_cast %swap3A_121 : vector<1x16xf32> to vector<16xf32>
      %swap3A_123 = vector.shape_cast %scan3A_84#6 : vector<16xf32> to vector<1x16xf32>
      tpu.vector_store %arg7[%swap3A_119, %swap3A_120], %swap3A_123 {strides = array<i32>} : memref<128x128xf32, #tpu.memory_space<vmem>>, vector<1x16xf32>,
      %swap3A_124 = arith.index_cast %add3A_89 : i32 to index
      %swap3A_125 = arith.constant 112 : index
      %swap3A_126 = tpu.vector_load %arg7[%swap3A_124, %swap3A_125] {strides = array<i32>} : memref<128x128xf32, #tpu.memory_space<vmem>>, vector<1x16xf32>,
      %swap3A_127 = vector.shape_cast %swap3A_126 : vector<1x16xf32> to vector<16xf32>
      %swap3A_128 = vector.shape_cast %scan3A_84#7 : vector<16xf32> to vector<1x16xf32>
      tpu.vector_store %arg7[%swap3A_124, %swap3A_125], %swap3A_128 {strides = array<i32>} : memref<128x128xf32, #tpu.memory_space<vmem>>, vector<1x16xf32>,
      %broadcast_in_dim3A_129 = arith.constant 0.000000e+00 : f32
      %broadcast_in_dim3A_130 = vector.broadcast %broadcast_in_dim3A_129 : f32 to vector<16xf32>
      %broadcast_in_dim3A_131 = arith.constant 0.000000e+00 : f32
      %broadcast_in_dim3A_132 = vector.broadcast %broadcast_in_dim3A_131 : f32 to vector<16xf32>
      %broadcast_in_dim3A_133 = arith.constant 0.000000e+00 : f32
      %broadcast_in_dim3A_134 = vector.broadcast %broadcast_in_dim3A_133 : f32 to vector<16xf32>
      %broadcast_in_dim3A_135 = arith.constant 0.000000e+00 : f32
      %broadcast_in_dim3A_136 = vector.broadcast %broadcast_in_dim3A_135 : f32 to vector<16xf32>
      %broadcast_in_dim3A_137 = arith.constant 0.000000e+00 : f32
      %broadcast_in_dim3A_138 = vector.broadcast %broadcast_in_dim3A_137 : f32 to vector<16xf32>
      %broadcast_in_dim3A_139 = arith.constant 0.000000e+00 : f32
      %broadcast_in_dim3A_140 = vector.broadcast %broadcast_in_dim3A_139 : f32 to vector<16xf32>
      %broadcast_in_dim3A_141 = arith.constant 0.000000e+00 : f32
      %broadcast_in_dim3A_142 = vector.broadcast %broadcast_in_dim3A_141 : f32 to vector<16xf32>
      %broadcast_in_dim3A_143 = arith.constant 0.000000e+00 : f32
      %broadcast_in_dim3A_144 = vector.broadcast %broadcast_in_dim3A_143 : f32 to vector<16xf32>
      %scan3A_145 = arith.constant 0 : i32
      %scan3A_146 = arith.constant 50 : i32
      %scan3A_147 = arith.addi %scan3A_145, %scan3A_146 : i32
      %scan3A_148 = arith.constant 1 : i32
      %scan3A_149:8 = scf.for %scan3A_664 = %scan3A_145 to %scan3A_147 step %scan3A_148 iter_args(%scan3A_665 = %broadcast_in_dim3A_130, %scan3A_666 = %broadcast_in_dim3A_132, %scan3A_667 = %broadcast_in_dim3A_134, %scan3A_668 = %broadcast_in_dim3A_136, %scan3A_669 = %broadcast_in_dim3A_138, %scan3A_670 = %broadcast_in_dim3A_140, %scan3A_671 = %broadcast_in_dim3A_142, %scan3A_672 = %broadcast_in_dim3A_144) -> (vector<16xf32>, vector<16xf32>, vector<16xf32>, vector<16xf32>, vector<16xf32>, vector<16xf32>, vector<16xf32>, vector<16xf32>)  : i32 {
        %add3A_673 = arith.constant 50 : i32
        %add3A_674 = arith.addi %add3A_673, %scan3A_664 : i32
        %get3A = arith.constant 0 : i32
        %get3A_675 = arith.index_cast %get3A : i32 to index
        %get3A_676 = arith.index_cast %add3A_674 : i32 to index
        %get3A_677 = arith.constant 0 : index
        %get3A_678 = tpu.vector_load %arg6[%get3A_675, %get3A_676, %get3A_677] {strides = array<i32>} : memref<4x100x128xf32, #tpu.memory_space<vmem>>, vector<1x1x16xf32>,
        %get3A_679 = vector.shape_cast %get3A_678 : vector<1x1x16xf32> to vector<16xf32>
        %add3A_680 = arith.addf %scan3A_665, %get3A_679 : vector<16xf32>
        %add3A_681 = arith.constant 50 : i32
        %add3A_682 = arith.addi %add3A_681, %scan3A_664 : i32
        %get3A_683 = arith.constant 0 : i32
        %get3A_684 = arith.index_cast %get3A_683 : i32 to index
        %get3A_685 = arith.index_cast %add3A_682 : i32 to index
        %get3A_686 = arith.constant 16 : index
        %get3A_687 = tpu.vector_load %arg6[%get3A_684, %get3A_685, %get3A_686] {strides = array<i32>} : memref<4x100x128xf32, #tpu.memory_space<vmem>>, vector<1x1x16xf32>,
        %get3A_688 = vector.shape_cast %get3A_687 : vector<1x1x16xf32> to vector<16xf32>
        %add3A_689 = arith.addf %scan3A_666, %get3A_688 : vector<16xf32>
        %add3A_690 = arith.constant 50 : i32
        %add3A_691 = arith.addi %add3A_690, %scan3A_664 : i32
        %get3A_692 = arith.constant 0 : i32
        %get3A_693 = arith.index_cast %get3A_692 : i32 to index
        %get3A_694 = arith.index_cast %add3A_691 : i32 to index
        %get3A_695 = arith.constant 32 : index
        %get3A_696 = tpu.vector_load %arg6[%get3A_693, %get3A_694, %get3A_695] {strides = array<i32>} : memref<4x100x128xf32, #tpu.memory_space<vmem>>, vector<1x1x16xf32>,
        %get3A_697 = vector.shape_cast %get3A_696 : vector<1x1x16xf32> to vector<16xf32>
        %add3A_698 = arith.addf %scan3A_667, %get3A_697 : vector<16xf32>
        %add3A_699 = arith.constant 50 : i32
        %add3A_700 = arith.addi %add3A_699, %scan3A_664 : i32
        %get3A_701 = arith.constant 0 : i32
        %get3A_702 = arith.index_cast %get3A_701 : i32 to index
        %get3A_703 = arith.index_cast %add3A_700 : i32 to index
        %get3A_704 = arith.constant 48 : index
        %get3A_705 = tpu.vector_load %arg6[%get3A_702, %get3A_703, %get3A_704] {strides = array<i32>} : memref<4x100x128xf32, #tpu.memory_space<vmem>>, vector<1x1x16xf32>,
        %get3A_706 = vector.shape_cast %get3A_705 : vector<1x1x16xf32> to vector<16xf32>
        %add3A_707 = arith.addf %scan3A_668, %get3A_706 : vector<16xf32>
        %add3A_708 = arith.constant 50 : i32
        %add3A_709 = arith.addi %add3A_708, %scan3A_664 : i32
        %get3A_710 = arith.constant 0 : i32
        %get3A_711 = arith.index_cast %get3A_710 : i32 to index
        %get3A_712 = arith.index_cast %add3A_709 : i32 to index
        %get3A_713 = arith.constant 64 : index
        %get3A_714 = tpu.vector_load %arg6[%get3A_711, %get3A_712, %get3A_713] {strides = array<i32>} : memref<4x100x128xf32, #tpu.memory_space<vmem>>, vector<1x1x16xf32>,
        %get3A_715 = vector.shape_cast %get3A_714 : vector<1x1x16xf32> to vector<16xf32>
        %add3A_716 = arith.addf %scan3A_669, %get3A_715 : vector<16xf32>
        %add3A_717 = arith.constant 50 : i32
        %add3A_718 = arith.addi %add3A_717, %scan3A_664 : i32
        %get3A_719 = arith.constant 0 : i32
        %get3A_720 = arith.index_cast %get3A_719 : i32 to index
        %get3A_721 = arith.index_cast %add3A_718 : i32 to index
        %get3A_722 = arith.constant 80 : index
        %get3A_723 = tpu.vector_load %arg6[%get3A_720, %get3A_721, %get3A_722] {strides = array<i32>} : memref<4x100x128xf32, #tpu.memory_space<vmem>>, vector<1x1x16xf32>,
        %get3A_724 = vector.shape_cast %get3A_723 : vector<1x1x16xf32> to vector<16xf32>
        %add3A_725 = arith.addf %scan3A_670, %get3A_724 : vector<16xf32>
        %add3A_726 = arith.constant 50 : i32
        %add3A_727 = arith.addi %add3A_726, %scan3A_664 : i32
        %get3A_728 = arith.constant 0 : i32
        %get3A_729 = arith.index_cast %get3A_728 : i32 to index
        %get3A_730 = arith.index_cast %add3A_727 : i32 to index
        %get3A_731 = arith.constant 96 : index
        %get3A_732 = tpu.vector_load %arg6[%get3A_729, %get3A_730, %get3A_731] {strides = array<i32>} : memref<4x100x128xf32, #tpu.memory_space<vmem>>, vector<1x1x16xf32>,
        %get3A_733 = vector.shape_cast %get3A_732 : vector<1x1x16xf32> to vector<16xf32>
        %add3A_734 = arith.addf %scan3A_671, %get3A_733 : vector<16xf32>
        %add3A_735 = arith.constant 50 : i32
        %add3A_736 = arith.addi %add3A_735, %scan3A_664 : i32
        %get3A_737 = arith.constant 0 : i32
        %get3A_738 = arith.index_cast %get3A_737 : i32 to index
        %get3A_739 = arith.index_cast %add3A_736 : i32 to index
        %get3A_740 = arith.constant 112 : index
        %get3A_741 = tpu.vector_load %arg6[%get3A_738, %get3A_739, %get3A_740] {strides = array<i32>} : memref<4x100x128xf32, #tpu.memory_space<vmem>>, vector<1x1x16xf32>,
        %get3A_742 = vector.shape_cast %get3A_741 : vector<1x1x16xf32> to vector<16xf32>
        %add3A_743 = arith.addf %scan3A_672, %get3A_742 : vector<16xf32>
        scf.yield %add3A_680, %add3A_689, %add3A_698, %add3A_707, %add3A_716, %add3A_725, %add3A_734, %add3A_743 : vector<16xf32>, vector<16xf32>, vector<16xf32>, vector<16xf32>, vector<16xf32>, vector<16xf32>, vector<16xf32>, vector<16xf32>
      }
      %scan3A_150 = arith.constant 50 : i32
      %mul3A_151 = arith.constant 2 : i32
      %mul3A_152 = arith.muli %add3A_49, %mul3A_151 : i32
      %add3A_153 = arith.constant 1 : i32
      %add3A_154 = arith.addi %mul3A_152, %add3A_153 : i32
      %swap3A_155 = arith.index_cast %add3A_154 : i32 to index
      %swap3A_156 = arith.constant 0 : index
      %swap3A_157 = tpu.vector_load %arg7[%swap3A_155, %swap3A_156] {strides = array<i32>} : memref<128x128xf32, #tpu.memory_space<vmem>>, vector<1x16xf32>,
      %swap3A_158 = vector.shape_cast %swap3A_157 : vector<1x16xf32> to vector<16xf32>
      %swap3A_159 = vector.shape_cast %scan3A_149#0 : vector<16xf32> to vector<1x16xf32>
      tpu.vector_store %arg7[%swap3A_155, %swap3A_156], %swap3A_159 {strides = array<i32>} : memref<128x128xf32, #tpu.memory_space<vmem>>, vector<1x16xf32>,
      %swap3A_160 = arith.index_cast %add3A_154 : i32 to index
      %swap3A_161 = arith.constant 16 : index
      %swap3A_162 = tpu.vector_load %arg7[%swap3A_160, %swap3A_161] {strides = array<i32>} : memref<128x128xf32, #tpu.memory_space<vmem>>, vector<1x16xf32>,
      %swap3A_163 = vector.shape_cast %swap3A_162 : vector<1x16xf32> to vector<16xf32>
      %swap3A_164 = vector.shape_cast %scan3A_149#1 : vector<16xf32> to vector<1x16xf32>
      tpu.vector_store %arg7[%swap3A_160, %swap3A_161], %swap3A_164 {strides = array<i32>} : memref<128x128xf32, #tpu.memory_space<vmem>>, vector<1x16xf32>,
      %swap3A_165 = arith.index_cast %add3A_154 : i32 to index
      %swap3A_166 = arith.constant 32 : index
      %swap3A_167 = tpu.vector_load %arg7[%swap3A_165, %swap3A_166] {strides = array<i32>} : memref<128x128xf32, #tpu.memory_space<vmem>>, vector<1x16xf32>,
      %swap3A_168 = vector.shape_cast %swap3A_167 : vector<1x16xf32> to vector<16xf32>
      %swap3A_169 = vector.shape_cast %scan3A_149#2 : vector<16xf32> to vector<1x16xf32>
      tpu.vector_store %arg7[%swap3A_165, %swap3A_166], %swap3A_169 {strides = array<i32>} : memref<128x128xf32, #tpu.memory_space<vmem>>, vector<1x16xf32>,
      %swap3A_170 = arith.index_cast %add3A_154 : i32 to index
      %swap3A_171 = arith.constant 48 : index
      %swap3A_172 = tpu.vector_load %arg7[%swap3A_170, %swap3A_171] {strides = array<i32>} : memref<128x128xf32, #tpu.memory_space<vmem>>, vector<1x16xf32>,
      %swap3A_173 = vector.shape_cast %swap3A_172 : vector<1x16xf32> to vector<16xf32>
      %swap3A_174 = vector.shape_cast %scan3A_149#3 : vector<16xf32> to vector<1x16xf32>
      tpu.vector_store %arg7[%swap3A_170, %swap3A_171], %swap3A_174 {strides = array<i32>} : memref<128x128xf32, #tpu.memory_space<vmem>>, vector<1x16xf32>,
      %swap3A_175 = arith.index_cast %add3A_154 : i32 to index
      %swap3A_176 = arith.constant 64 : index
      %swap3A_177 = tpu.vector_load %arg7[%swap3A_175, %swap3A_176] {strides = array<i32>} : memref<128x128xf32, #tpu.memory_space<vmem>>, vector<1x16xf32>,
      %swap3A_178 = vector.shape_cast %swap3A_177 : vector<1x16xf32> to vector<16xf32>
      %swap3A_179 = vector.shape_cast %scan3A_149#4 : vector<16xf32> to vector<1x16xf32>
      tpu.vector_store %arg7[%swap3A_175, %swap3A_176], %swap3A_179 {strides = array<i32>} : memref<128x128xf32, #tpu.memory_space<vmem>>, vector<1x16xf32>,
      %swap3A_180 = arith.index_cast %add3A_154 : i32 to index
      %swap3A_181 = arith.constant 80 : index
      %swap3A_182 = tpu.vector_load %arg7[%swap3A_180, %swap3A_181] {strides = array<i32>} : memref<128x128xf32, #tpu.memory_space<vmem>>, vector<1x16xf32>,
      %swap3A_183 = vector.shape_cast %swap3A_182 : vector<1x16xf32> to vector<16xf32>
      %swap3A_184 = vector.shape_cast %scan3A_149#5 : vector<16xf32> to vector<1x16xf32>
      tpu.vector_store %arg7[%swap3A_180, %swap3A_181], %swap3A_184 {strides = array<i32>} : memref<128x128xf32, #tpu.memory_space<vmem>>, vector<1x16xf32>,
      %swap3A_185 = arith.index_cast %add3A_154 : i32 to index
      %swap3A_186 = arith.constant 96 : index
      %swap3A_187 = tpu.vector_load %arg7[%swap3A_185, %swap3A_186] {strides = array<i32>} : memref<128x128xf32, #tpu.memory_space<vmem>>, vector<1x16xf32>,
      %swap3A_188 = vector.shape_cast %swap3A_187 : vector<1x16xf32> to vector<16xf32>
      %swap3A_189 = vector.shape_cast %scan3A_149#6 : vector<16xf32> to vector<1x16xf32>
      tpu.vector_store %arg7[%swap3A_185, %swap3A_186], %swap3A_189 {strides = array<i32>} : memref<128x128xf32, #tpu.memory_space<vmem>>, vector<1x16xf32>,
      %swap3A_190 = arith.index_cast %add3A_154 : i32 to index
      %swap3A_191 = arith.constant 112 : index
      %swap3A_192 = tpu.vector_load %arg7[%swap3A_190, %swap3A_191] {strides = array<i32>} : memref<128x128xf32, #tpu.memory_space<vmem>>, vector<1x16xf32>,
      %swap3A_193 = vector.shape_cast %swap3A_192 : vector<1x16xf32> to vector<16xf32>
      %swap3A_194 = vector.shape_cast %scan3A_149#7 : vector<16xf32> to vector<1x16xf32>
      tpu.vector_store %arg7[%swap3A_190, %swap3A_191], %swap3A_194 {strides = array<i32>} : memref<128x128xf32, #tpu.memory_space<vmem>>, vector<1x16xf32>,
      %mul3A_195 = arith.constant 4 : i32
      %mul3A_196 = arith.muli %mul3A_195, %scan3A_44 : i32
      %add3A_197 = arith.constant 1 : i32
      %add3A_198 = arith.addi %mul3A_196, %add3A_197 : i32
      %dma_wait3A_199 = arith.constant 1 : i32
      %dma_wait3A_200 = arith.constant 0 : i32
      %dma_wait3A_201 = arith.constant 0 : i32
      %dma_wait3A_202 = tpu.memref_slice %arg6[%dma_wait3A_199, %dma_wait3A_200, %dma_wait3A_201] : memref<4x100x128xf32, #tpu.memory_space<vmem>> -> memref<1x100x128xf32, #tpu.memory_space<vmem>>
      %dma_wait3A_203 = tpu.memref_squeeze %dma_wait3A_202 : memref<1x100x128xf32, #tpu.memory_space<vmem>> -> memref<100x128xf32, #tpu.memory_space<vmem>>
      %dma_wait3A_204 = arith.constant 0 : i32
      %dma_wait3A_205 = tpu.memref_slice %arg5[%add3A_198, %dma_wait3A_204] : memref<64x100xi32, #tpu.memory_space<vmem>> -> memref<1x100xi32, #tpu.memory_space<vmem>>
      %dma_wait3A_206 = tpu.memref_squeeze %dma_wait3A_205 : memref<1x100xi32, #tpu.memory_space<vmem>> -> memref<100xi32, #tpu.memory_space<vmem>>
      %dma_wait3A_207 = arith.constant 0 : i32
      %dma_wait3A_208 = arith.constant 0 : i32
      %dma_wait3A_209 = tpu.memref_slice %arg3[%dma_wait3A_207, %dma_wait3A_208] : memref<100000x128xf32, #tpu.memory_space<hbm>> -> memref<100000x128xf32, #tpu.memory_space<hbm>>
      tpu.wait_indirect_dma semaphore(%arg9 : memref<!tpu.dma_semaphore, #tpu.memory_space<semaphore_mem>>) src(%dma_wait3A_209 : memref<100000x128xf32, #tpu.memory_space<hbm>>) dst(%dma_wait3A_203 : memref<100x128xf32, #tpu.memory_space<vmem>>)
      %add3A_210 = arith.constant 4 : i32
      %add3A_211 = arith.addi %add3A_198, %add3A_210 : i32
      %sub3A_212 = arith.constant 1 : i32
      %sub3A_213 = arith.subi %add3A_211, %sub3A_212 : i32
      %lt3A_214 = arith.constant 64 : i32
      %lt3A_215 = arith.cmpi slt, %sub3A_213, %lt3A_214 : i32
      %convert_element_type3A_216 = arith.extui %lt3A_215 : i1 to i32
      %cond3A_217 = arith.constant 0 : i32
      %cond3A_218 = arith.cmpi ne, %convert_element_type3A_216, %cond3A_217 : i32
      scf.if %cond3A_218 {
        %add3A_664 = arith.constant 4 : i32
        %add3A_665 = arith.addi %add3A_198, %add3A_664 : i32
        %sub3A_666 = arith.constant 1 : i32
        %sub3A_667 = arith.subi %add3A_665, %sub3A_666 : i32
        %dma_start3A_668 = arith.constant 0 : i32
        %dma_start3A_669 = arith.constant 0 : i32
        %dma_start3A_670 = arith.constant 0 : i32
        %dma_start3A_671 = tpu.memref_slice %arg6[%dma_start3A_668, %dma_start3A_669, %dma_start3A_670] : memref<4x100x128xf32, #tpu.memory_space<vmem>> -> memref<1x100x128xf32, #tpu.memory_space<vmem>>
        %dma_start3A_672 = tpu.memref_squeeze %dma_start3A_671 : memref<1x100x128xf32, #tpu.memory_space<vmem>> -> memref<100x128xf32, #tpu.memory_space<vmem>>
        %dma_start3A_673 = arith.constant 0 : i32
        %dma_start3A_674 = tpu.memref_slice %arg5[%sub3A_667, %dma_start3A_673] : memref<64x100xi32, #tpu.memory_space<vmem>> -> memref<1x100xi32, #tpu.memory_space<vmem>>
        %dma_start3A_675 = tpu.memref_squeeze %dma_start3A_674 : memref<1x100xi32, #tpu.memory_space<vmem>> -> memref<100xi32, #tpu.memory_space<vmem>>
        %dma_start3A_676 = arith.constant 0 : i32
        %dma_start3A_677 = arith.constant 0 : i32
        %dma_start3A_678 = tpu.memref_slice %arg3[%dma_start3A_676, %dma_start3A_677] : memref<100000x128xf32, #tpu.memory_space<hbm>> -> memref<100000x128xf32, #tpu.memory_space<hbm>>
        tpu.enqueue_indirect_dma source(%dma_start3A_678 : memref<100000x128xf32, #tpu.memory_space<hbm>>) target(%dma_start3A_672 : memref<100x128xf32, #tpu.memory_space<vmem>>) offsets(%dma_start3A_675 : memref<100xi32, #tpu.memory_space<vmem>>) semaphore(%arg8 : memref<!tpu.dma_semaphore, #tpu.memory_space<semaphore_mem>>)
      } else {
      }
      %broadcast_in_dim3A_219 = arith.constant 0.000000e+00 : f32
      %broadcast_in_dim3A_220 = vector.broadcast %broadcast_in_dim3A_219 : f32 to vector<16xf32>
      %broadcast_in_dim3A_221 = arith.constant 0.000000e+00 : f32
      %broadcast_in_dim3A_222 = vector.broadcast %broadcast_in_dim3A_221 : f32 to vector<16xf32>
      %broadcast_in_dim3A_223 = arith.constant 0.000000e+00 : f32
      %broadcast_in_dim3A_224 = vector.broadcast %broadcast_in_dim3A_223 : f32 to vector<16xf32>
      %broadcast_in_dim3A_225 = arith.constant 0.000000e+00 : f32
      %broadcast_in_dim3A_226 = vector.broadcast %broadcast_in_dim3A_225 : f32 to vector<16xf32>
      %broadcast_in_dim3A_227 = arith.constant 0.000000e+00 : f32
      %broadcast_in_dim3A_228 = vector.broadcast %broadcast_in_dim3A_227 : f32 to vector<16xf32>
      %broadcast_in_dim3A_229 = arith.constant 0.000000e+00 : f32
      %broadcast_in_dim3A_230 = vector.broadcast %broadcast_in_dim3A_229 : f32 to vector<16xf32>
      %broadcast_in_dim3A_231 = arith.constant 0.000000e+00 : f32
      %broadcast_in_dim3A_232 = vector.broadcast %broadcast_in_dim3A_231 : f32 to vector<16xf32>
      %broadcast_in_dim3A_233 = arith.constant 0.000000e+00 : f32
      %broadcast_in_dim3A_234 = vector.broadcast %broadcast_in_dim3A_233 : f32 to vector<16xf32>
      %scan3A_235 = arith.constant 0 : i32
      %scan3A_236 = arith.constant 50 : i32
      %scan3A_237 = arith.addi %scan3A_235, %scan3A_236 : i32
      %scan3A_238 = arith.constant 1 : i32
      %scan3A_239:8 = scf.for %scan3A_664 = %scan3A_235 to %scan3A_237 step %scan3A_238 iter_args(%scan3A_665 = %broadcast_in_dim3A_220, %scan3A_666 = %broadcast_in_dim3A_222, %scan3A_667 = %broadcast_in_dim3A_224, %scan3A_668 = %broadcast_in_dim3A_226, %scan3A_669 = %broadcast_in_dim3A_228, %scan3A_670 = %broadcast_in_dim3A_230, %scan3A_671 = %broadcast_in_dim3A_232, %scan3A_672 = %broadcast_in_dim3A_234) -> (vector<16xf32>, vector<16xf32>, vector<16xf32>, vector<16xf32>, vector<16xf32>, vector<16xf32>, vector<16xf32>, vector<16xf32>)  : i32 {
        %add3A_673 = arith.constant 0 : i32
        %add3A_674 = arith.addi %add3A_673, %scan3A_664 : i32
        %get3A = arith.constant 1 : i32
        %get3A_675 = arith.index_cast %get3A : i32 to index
        %get3A_676 = arith.index_cast %add3A_674 : i32 to index
        %get3A_677 = arith.constant 0 : index
        %get3A_678 = tpu.vector_load %arg6[%get3A_675, %get3A_676, %get3A_677] {strides = array<i32>} : memref<4x100x128xf32, #tpu.memory_space<vmem>>, vector<1x1x16xf32>,
        %get3A_679 = vector.shape_cast %get3A_678 : vector<1x1x16xf32> to vector<16xf32>
        %add3A_680 = arith.addf %scan3A_665, %get3A_679 : vector<16xf32>
        %add3A_681 = arith.constant 0 : i32
        %add3A_682 = arith.addi %add3A_681, %scan3A_664 : i32
        %get3A_683 = arith.constant 1 : i32
        %get3A_684 = arith.index_cast %get3A_683 : i32 to index
        %get3A_685 = arith.index_cast %add3A_682 : i32 to index
        %get3A_686 = arith.constant 16 : index
        %get3A_687 = tpu.vector_load %arg6[%get3A_684, %get3A_685, %get3A_686] {strides = array<i32>} : memref<4x100x128xf32, #tpu.memory_space<vmem>>, vector<1x1x16xf32>,
        %get3A_688 = vector.shape_cast %get3A_687 : vector<1x1x16xf32> to vector<16xf32>
        %add3A_689 = arith.addf %scan3A_666, %get3A_688 : vector<16xf32>
        %add3A_690 = arith.constant 0 : i32
        %add3A_691 = arith.addi %add3A_690, %scan3A_664 : i32
        %get3A_692 = arith.constant 1 : i32
        %get3A_693 = arith.index_cast %get3A_692 : i32 to index
        %get3A_694 = arith.index_cast %add3A_691 : i32 to index
        %get3A_695 = arith.constant 32 : index
        %get3A_696 = tpu.vector_load %arg6[%get3A_693, %get3A_694, %get3A_695] {strides = array<i32>} : memref<4x100x128xf32, #tpu.memory_space<vmem>>, vector<1x1x16xf32>,
        %get3A_697 = vector.shape_cast %get3A_696 : vector<1x1x16xf32> to vector<16xf32>
        %add3A_698 = arith.addf %scan3A_667, %get3A_697 : vector<16xf32>
        %add3A_699 = arith.constant 0 : i32
        %add3A_700 = arith.addi %add3A_699, %scan3A_664 : i32
        %get3A_701 = arith.constant 1 : i32
        %get3A_702 = arith.index_cast %get3A_701 : i32 to index
        %get3A_703 = arith.index_cast %add3A_700 : i32 to index
        %get3A_704 = arith.constant 48 : index
        %get3A_705 = tpu.vector_load %arg6[%get3A_702, %get3A_703, %get3A_704] {strides = array<i32>} : memref<4x100x128xf32, #tpu.memory_space<vmem>>, vector<1x1x16xf32>,
        %get3A_706 = vector.shape_cast %get3A_705 : vector<1x1x16xf32> to vector<16xf32>
        %add3A_707 = arith.addf %scan3A_668, %get3A_706 : vector<16xf32>
        %add3A_708 = arith.constant 0 : i32
        %add3A_709 = arith.addi %add3A_708, %scan3A_664 : i32
        %get3A_710 = arith.constant 1 : i32
        %get3A_711 = arith.index_cast %get3A_710 : i32 to index
        %get3A_712 = arith.index_cast %add3A_709 : i32 to index
        %get3A_713 = arith.constant 64 : index
        %get3A_714 = tpu.vector_load %arg6[%get3A_711, %get3A_712, %get3A_713] {strides = array<i32>} : memref<4x100x128xf32, #tpu.memory_space<vmem>>, vector<1x1x16xf32>,
        %get3A_715 = vector.shape_cast %get3A_714 : vector<1x1x16xf32> to vector<16xf32>
        %add3A_716 = arith.addf %scan3A_669, %get3A_715 : vector<16xf32>
        %add3A_717 = arith.constant 0 : i32
        %add3A_718 = arith.addi %add3A_717, %scan3A_664 : i32
        %get3A_719 = arith.constant 1 : i32
        %get3A_720 = arith.index_cast %get3A_719 : i32 to index
        %get3A_721 = arith.index_cast %add3A_718 : i32 to index
        %get3A_722 = arith.constant 80 : index
        %get3A_723 = tpu.vector_load %arg6[%get3A_720, %get3A_721, %get3A_722] {strides = array<i32>} : memref<4x100x128xf32, #tpu.memory_space<vmem>>, vector<1x1x16xf32>,
        %get3A_724 = vector.shape_cast %get3A_723 : vector<1x1x16xf32> to vector<16xf32>
        %add3A_725 = arith.addf %scan3A_670, %get3A_724 : vector<16xf32>
        %add3A_726 = arith.constant 0 : i32
        %add3A_727 = arith.addi %add3A_726, %scan3A_664 : i32
        %get3A_728 = arith.constant 1 : i32
        %get3A_729 = arith.index_cast %get3A_728 : i32 to index
        %get3A_730 = arith.index_cast %add3A_727 : i32 to index
        %get3A_731 = arith.constant 96 : index
        %get3A_732 = tpu.vector_load %arg6[%get3A_729, %get3A_730, %get3A_731] {strides = array<i32>} : memref<4x100x128xf32, #tpu.memory_space<vmem>>, vector<1x1x16xf32>,
        %get3A_733 = vector.shape_cast %get3A_732 : vector<1x1x16xf32> to vector<16xf32>
        %add3A_734 = arith.addf %scan3A_671, %get3A_733 : vector<16xf32>
        %add3A_735 = arith.constant 0 : i32
        %add3A_736 = arith.addi %add3A_735, %scan3A_664 : i32
        %get3A_737 = arith.constant 1 : i32
        %get3A_738 = arith.index_cast %get3A_737 : i32 to index
        %get3A_739 = arith.index_cast %add3A_736 : i32 to index
        %get3A_740 = arith.constant 112 : index
        %get3A_741 = tpu.vector_load %arg6[%get3A_738, %get3A_739, %get3A_740] {strides = array<i32>} : memref<4x100x128xf32, #tpu.memory_space<vmem>>, vector<1x1x16xf32>,
        %get3A_742 = vector.shape_cast %get3A_741 : vector<1x1x16xf32> to vector<16xf32>
        %add3A_743 = arith.addf %scan3A_672, %get3A_742 : vector<16xf32>
        scf.yield %add3A_680, %add3A_689, %add3A_698, %add3A_707, %add3A_716, %add3A_725, %add3A_734, %add3A_743 : vector<16xf32>, vector<16xf32>, vector<16xf32>, vector<16xf32>, vector<16xf32>, vector<16xf32>, vector<16xf32>, vector<16xf32>
      }
      %scan3A_240 = arith.constant 50 : i32
      %mul3A_241 = arith.constant 2 : i32
      %mul3A_242 = arith.muli %add3A_198, %mul3A_241 : i32
      %add3A_243 = arith.constant 0 : i32
      %add3A_244 = arith.addi %mul3A_242, %add3A_243 : i32
      %swap3A_245 = arith.index_cast %add3A_244 : i32 to index
      %swap3A_246 = arith.constant 0 : index
      %swap3A_247 = tpu.vector_load %arg7[%swap3A_245, %swap3A_246] {strides = array<i32>} : memref<128x128xf32, #tpu.memory_space<vmem>>, vector<1x16xf32>,
      %swap3A_248 = vector.shape_cast %swap3A_247 : vector<1x16xf32> to vector<16xf32>
      %swap3A_249 = vector.shape_cast %scan3A_239#0 : vector<16xf32> to vector<1x16xf32>
      tpu.vector_store %arg7[%swap3A_245, %swap3A_246], %swap3A_249 {strides = array<i32>} : memref<128x128xf32, #tpu.memory_space<vmem>>, vector<1x16xf32>,
      %swap3A_250 = arith.index_cast %add3A_244 : i32 to index
      %swap3A_251 = arith.constant 16 : index
      %swap3A_252 = tpu.vector_load %arg7[%swap3A_250, %swap3A_251] {strides = array<i32>} : memref<128x128xf32, #tpu.memory_space<vmem>>, vector<1x16xf32>,
      %swap3A_253 = vector.shape_cast %swap3A_252 : vector<1x16xf32> to vector<16xf32>
      %swap3A_254 = vector.shape_cast %scan3A_239#1 : vector<16xf32> to vector<1x16xf32>
      tpu.vector_store %arg7[%swap3A_250, %swap3A_251], %swap3A_254 {strides = array<i32>} : memref<128x128xf32, #tpu.memory_space<vmem>>, vector<1x16xf32>,
      %swap3A_255 = arith.index_cast %add3A_244 : i32 to index
      %swap3A_256 = arith.constant 32 : index
      %swap3A_257 = tpu.vector_load %arg7[%swap3A_255, %swap3A_256] {strides = array<i32>} : memref<128x128xf32, #tpu.memory_space<vmem>>, vector<1x16xf32>,
      %swap3A_258 = vector.shape_cast %swap3A_257 : vector<1x16xf32> to vector<16xf32>
      %swap3A_259 = vector.shape_cast %scan3A_239#2 : vector<16xf32> to vector<1x16xf32>
      tpu.vector_store %arg7[%swap3A_255, %swap3A_256], %swap3A_259 {strides = array<i32>} : memref<128x128xf32, #tpu.memory_space<vmem>>, vector<1x16xf32>,
      %swap3A_260 = arith.index_cast %add3A_244 : i32 to index
      %swap3A_261 = arith.constant 48 : index
      %swap3A_262 = tpu.vector_load %arg7[%swap3A_260, %swap3A_261] {strides = array<i32>} : memref<128x128xf32, #tpu.memory_space<vmem>>, vector<1x16xf32>,
      %swap3A_263 = vector.shape_cast %swap3A_262 : vector<1x16xf32> to vector<16xf32>
      %swap3A_264 = vector.shape_cast %scan3A_239#3 : vector<16xf32> to vector<1x16xf32>
      tpu.vector_store %arg7[%swap3A_260, %swap3A_261], %swap3A_264 {strides = array<i32>} : memref<128x128xf32, #tpu.memory_space<vmem>>, vector<1x16xf32>,
      %swap3A_265 = arith.index_cast %add3A_244 : i32 to index
      %swap3A_266 = arith.constant 64 : index
      %swap3A_267 = tpu.vector_load %arg7[%swap3A_265, %swap3A_266] {strides = array<i32>} : memref<128x128xf32, #tpu.memory_space<vmem>>, vector<1x16xf32>,
      %swap3A_268 = vector.shape_cast %swap3A_267 : vector<1x16xf32> to vector<16xf32>
      %swap3A_269 = vector.shape_cast %scan3A_239#4 : vector<16xf32> to vector<1x16xf32>
      tpu.vector_store %arg7[%swap3A_265, %swap3A_266], %swap3A_269 {strides = array<i32>} : memref<128x128xf32, #tpu.memory_space<vmem>>, vector<1x16xf32>,
      %swap3A_270 = arith.index_cast %add3A_244 : i32 to index
      %swap3A_271 = arith.constant 80 : index
      %swap3A_272 = tpu.vector_load %arg7[%swap3A_270, %swap3A_271] {strides = array<i32>} : memref<128x128xf32, #tpu.memory_space<vmem>>, vector<1x16xf32>,
      %swap3A_273 = vector.shape_cast %swap3A_272 : vector<1x16xf32> to vector<16xf32>
      %swap3A_274 = vector.shape_cast %scan3A_239#5 : vector<16xf32> to vector<1x16xf32>
      tpu.vector_store %arg7[%swap3A_270, %swap3A_271], %swap3A_274 {strides = array<i32>} : memref<128x128xf32, #tpu.memory_space<vmem>>, vector<1x16xf32>,
      %swap3A_275 = arith.index_cast %add3A_244 : i32 to index
      %swap3A_276 = arith.constant 96 : index
      %swap3A_277 = tpu.vector_load %arg7[%swap3A_275, %swap3A_276] {strides = array<i32>} : memref<128x128xf32, #tpu.memory_space<vmem>>, vector<1x16xf32>,
      %swap3A_278 = vector.shape_cast %swap3A_277 : vector<1x16xf32> to vector<16xf32>
      %swap3A_279 = vector.shape_cast %scan3A_239#6 : vector<16xf32> to vector<1x16xf32>
      tpu.vector_store %arg7[%swap3A_275, %swap3A_276], %swap3A_279 {strides = array<i32>} : memref<128x128xf32, #tpu.memory_space<vmem>>, vector<1x16xf32>,
      %swap3A_280 = arith.index_cast %add3A_244 : i32 to index
      %swap3A_281 = arith.constant 112 : index
      %swap3A_282 = tpu.vector_load %arg7[%swap3A_280, %swap3A_281] {strides = array<i32>} : memref<128x128xf32, #tpu.memory_space<vmem>>, vector<1x16xf32>,
      %swap3A_283 = vector.shape_cast %swap3A_282 : vector<1x16xf32> to vector<16xf32>
      %swap3A_284 = vector.shape_cast %scan3A_239#7 : vector<16xf32> to vector<1x16xf32>
      tpu.vector_store %arg7[%swap3A_280, %swap3A_281], %swap3A_284 {strides = array<i32>} : memref<128x128xf32, #tpu.memory_space<vmem>>, vector<1x16xf32>,
      %broadcast_in_dim3A_285 = arith.constant 0.000000e+00 : f32
      %broadcast_in_dim3A_286 = vector.broadcast %broadcast_in_dim3A_285 : f32 to vector<16xf32>
      %broadcast_in_dim3A_287 = arith.constant 0.000000e+00 : f32
      %broadcast_in_dim3A_288 = vector.broadcast %broadcast_in_dim3A_287 : f32 to vector<16xf32>
      %broadcast_in_dim3A_289 = arith.constant 0.000000e+00 : f32
      %broadcast_in_dim3A_290 = vector.broadcast %broadcast_in_dim3A_289 : f32 to vector<16xf32>
      %broadcast_in_dim3A_291 = arith.constant 0.000000e+00 : f32
      %broadcast_in_dim3A_292 = vector.broadcast %broadcast_in_dim3A_291 : f32 to vector<16xf32>
      %broadcast_in_dim3A_293 = arith.constant 0.000000e+00 : f32
      %broadcast_in_dim3A_294 = vector.broadcast %broadcast_in_dim3A_293 : f32 to vector<16xf32>
      %broadcast_in_dim3A_295 = arith.constant 0.000000e+00 : f32
      %broadcast_in_dim3A_296 = vector.broadcast %broadcast_in_dim3A_295 : f32 to vector<16xf32>
      %broadcast_in_dim3A_297 = arith.constant 0.000000e+00 : f32
      %broadcast_in_dim3A_298 = vector.broadcast %broadcast_in_dim3A_297 : f32 to vector<16xf32>
      %broadcast_in_dim3A_299 = arith.constant 0.000000e+00 : f32
      %broadcast_in_dim3A_300 = vector.broadcast %broadcast_in_dim3A_299 : f32 to vector<16xf32>
      %scan3A_301 = arith.constant 0 : i32
      %scan3A_302 = arith.constant 50 : i32
      %scan3A_303 = arith.addi %scan3A_301, %scan3A_302 : i32
      %scan3A_304 = arith.constant 1 : i32
      %scan3A_305:8 = scf.for %scan3A_664 = %scan3A_301 to %scan3A_303 step %scan3A_304 iter_args(%scan3A_665 = %broadcast_in_dim3A_286, %scan3A_666 = %broadcast_in_dim3A_288, %scan3A_667 = %broadcast_in_dim3A_290, %scan3A_668 = %broadcast_in_dim3A_292, %scan3A_669 = %broadcast_in_dim3A_294, %scan3A_670 = %broadcast_in_dim3A_296, %scan3A_671 = %broadcast_in_dim3A_298, %scan3A_672 = %broadcast_in_dim3A_300) -> (vector<16xf32>, vector<16xf32>, vector<16xf32>, vector<16xf32>, vector<16xf32>, vector<16xf32>, vector<16xf32>, vector<16xf32>)  : i32 {
        %add3A_673 = arith.constant 50 : i32
        %add3A_674 = arith.addi %add3A_673, %scan3A_664 : i32
        %get3A = arith.constant 1 : i32
        %get3A_675 = arith.index_cast %get3A : i32 to index
        %get3A_676 = arith.index_cast %add3A_674 : i32 to index
        %get3A_677 = arith.constant 0 : index
        %get3A_678 = tpu.vector_load %arg6[%get3A_675, %get3A_676, %get3A_677] {strides = array<i32>} : memref<4x100x128xf32, #tpu.memory_space<vmem>>, vector<1x1x16xf32>,
        %get3A_679 = vector.shape_cast %get3A_678 : vector<1x1x16xf32> to vector<16xf32>
        %add3A_680 = arith.addf %scan3A_665, %get3A_679 : vector<16xf32>
        %add3A_681 = arith.constant 50 : i32
        %add3A_682 = arith.addi %add3A_681, %scan3A_664 : i32
        %get3A_683 = arith.constant 1 : i32
        %get3A_684 = arith.index_cast %get3A_683 : i32 to index
        %get3A_685 = arith.index_cast %add3A_682 : i32 to index
        %get3A_686 = arith.constant 16 : index
        %get3A_687 = tpu.vector_load %arg6[%get3A_684, %get3A_685, %get3A_686] {strides = array<i32>} : memref<4x100x128xf32, #tpu.memory_space<vmem>>, vector<1x1x16xf32>,
        %get3A_688 = vector.shape_cast %get3A_687 : vector<1x1x16xf32> to vector<16xf32>
        %add3A_689 = arith.addf %scan3A_666, %get3A_688 : vector<16xf32>
        %add3A_690 = arith.constant 50 : i32
        %add3A_691 = arith.addi %add3A_690, %scan3A_664 : i32
        %get3A_692 = arith.constant 1 : i32
        %get3A_693 = arith.index_cast %get3A_692 : i32 to index
        %get3A_694 = arith.index_cast %add3A_691 : i32 to index
        %get3A_695 = arith.constant 32 : index
        %get3A_696 = tpu.vector_load %arg6[%get3A_693, %get3A_694, %get3A_695] {strides = array<i32>} : memref<4x100x128xf32, #tpu.memory_space<vmem>>, vector<1x1x16xf32>,
        %get3A_697 = vector.shape_cast %get3A_696 : vector<1x1x16xf32> to vector<16xf32>
        %add3A_698 = arith.addf %scan3A_667, %get3A_697 : vector<16xf32>
        %add3A_699 = arith.constant 50 : i32
        %add3A_700 = arith.addi %add3A_699, %scan3A_664 : i32
        %get3A_701 = arith.constant 1 : i32
        %get3A_702 = arith.index_cast %get3A_701 : i32 to index
        %get3A_703 = arith.index_cast %add3A_700 : i32 to index
        %get3A_704 = arith.constant 48 : index
        %get3A_705 = tpu.vector_load %arg6[%get3A_702, %get3A_703, %get3A_704] {strides = array<i32>} : memref<4x100x128xf32, #tpu.memory_space<vmem>>, vector<1x1x16xf32>,
        %get3A_706 = vector.shape_cast %get3A_705 : vector<1x1x16xf32> to vector<16xf32>
        %add3A_707 = arith.addf %scan3A_668, %get3A_706 : vector<16xf32>
        %add3A_708 = arith.constant 50 : i32
        %add3A_709 = arith.addi %add3A_708, %scan3A_664 : i32
        %get3A_710 = arith.constant 1 : i32
        %get3A_711 = arith.index_cast %get3A_710 : i32 to index
        %get3A_712 = arith.index_cast %add3A_709 : i32 to index
        %get3A_713 = arith.constant 64 : index
        %get3A_714 = tpu.vector_load %arg6[%get3A_711, %get3A_712, %get3A_713] {strides = array<i32>} : memref<4x100x128xf32, #tpu.memory_space<vmem>>, vector<1x1x16xf32>,
        %get3A_715 = vector.shape_cast %get3A_714 : vector<1x1x16xf32> to vector<16xf32>
        %add3A_716 = arith.addf %scan3A_669, %get3A_715 : vector<16xf32>
        %add3A_717 = arith.constant 50 : i32
        %add3A_718 = arith.addi %add3A_717, %scan3A_664 : i32
        %get3A_719 = arith.constant 1 : i32
        %get3A_720 = arith.index_cast %get3A_719 : i32 to index
        %get3A_721 = arith.index_cast %add3A_718 : i32 to index
        %get3A_722 = arith.constant 80 : index
        %get3A_723 = tpu.vector_load %arg6[%get3A_720, %get3A_721, %get3A_722] {strides = array<i32>} : memref<4x100x128xf32, #tpu.memory_space<vmem>>, vector<1x1x16xf32>,
        %get3A_724 = vector.shape_cast %get3A_723 : vector<1x1x16xf32> to vector<16xf32>
        %add3A_725 = arith.addf %scan3A_670, %get3A_724 : vector<16xf32>
        %add3A_726 = arith.constant 50 : i32
        %add3A_727 = arith.addi %add3A_726, %scan3A_664 : i32
        %get3A_728 = arith.constant 1 : i32
        %get3A_729 = arith.index_cast %get3A_728 : i32 to index
        %get3A_730 = arith.index_cast %add3A_727 : i32 to index
        %get3A_731 = arith.constant 96 : index
        %get3A_732 = tpu.vector_load %arg6[%get3A_729, %get3A_730, %get3A_731] {strides = array<i32>} : memref<4x100x128xf32, #tpu.memory_space<vmem>>, vector<1x1x16xf32>,
        %get3A_733 = vector.shape_cast %get3A_732 : vector<1x1x16xf32> to vector<16xf32>
        %add3A_734 = arith.addf %scan3A_671, %get3A_733 : vector<16xf32>
        %add3A_735 = arith.constant 50 : i32
        %add3A_736 = arith.addi %add3A_735, %scan3A_664 : i32
        %get3A_737 = arith.constant 1 : i32
        %get3A_738 = arith.index_cast %get3A_737 : i32 to index
        %get3A_739 = arith.index_cast %add3A_736 : i32 to index
        %get3A_740 = arith.constant 112 : index
        %get3A_741 = tpu.vector_load %arg6[%get3A_738, %get3A_739, %get3A_740] {strides = array<i32>} : memref<4x100x128xf32, #tpu.memory_space<vmem>>, vector<1x1x16xf32>,
        %get3A_742 = vector.shape_cast %get3A_741 : vector<1x1x16xf32> to vector<16xf32>
        %add3A_743 = arith.addf %scan3A_672, %get3A_742 : vector<16xf32>
        scf.yield %add3A_680, %add3A_689, %add3A_698, %add3A_707, %add3A_716, %add3A_725, %add3A_734, %add3A_743 : vector<16xf32>, vector<16xf32>, vector<16xf32>, vector<16xf32>, vector<16xf32>, vector<16xf32>, vector<16xf32>, vector<16xf32>
      }
      %scan3A_306 = arith.constant 50 : i32
      %mul3A_307 = arith.constant 2 : i32
      %mul3A_308 = arith.muli %add3A_198, %mul3A_307 : i32
      %add3A_309 = arith.constant 1 : i32
      %add3A_310 = arith.addi %mul3A_308, %add3A_309 : i32
      %swap3A_311 = arith.index_cast %add3A_310 : i32 to index
      %swap3A_312 = arith.constant 0 : index
      %swap3A_313 = tpu.vector_load %arg7[%swap3A_311, %swap3A_312] {strides = array<i32>} : memref<128x128xf32, #tpu.memory_space<vmem>>, vector<1x16xf32>,
      %swap3A_314 = vector.shape_cast %swap3A_313 : vector<1x16xf32> to vector<16xf32>
      %swap3A_315 = vector.shape_cast %scan3A_305#0 : vector<16xf32> to vector<1x16xf32>
      tpu.vector_store %arg7[%swap3A_311, %swap3A_312], %swap3A_315 {strides = array<i32>} : memref<128x128xf32, #tpu.memory_space<vmem>>, vector<1x16xf32>,
      %swap3A_316 = arith.index_cast %add3A_310 : i32 to index
      %swap3A_317 = arith.constant 16 : index
      %swap3A_318 = tpu.vector_load %arg7[%swap3A_316, %swap3A_317] {strides = array<i32>} : memref<128x128xf32, #tpu.memory_space<vmem>>, vector<1x16xf32>,
      %swap3A_319 = vector.shape_cast %swap3A_318 : vector<1x16xf32> to vector<16xf32>
      %swap3A_320 = vector.shape_cast %scan3A_305#1 : vector<16xf32> to vector<1x16xf32>
      tpu.vector_store %arg7[%swap3A_316, %swap3A_317], %swap3A_320 {strides = array<i32>} : memref<128x128xf32, #tpu.memory_space<vmem>>, vector<1x16xf32>,
      %swap3A_321 = arith.index_cast %add3A_310 : i32 to index
      %swap3A_322 = arith.constant 32 : index
      %swap3A_323 = tpu.vector_load %arg7[%swap3A_321, %swap3A_322] {strides = array<i32>} : memref<128x128xf32, #tpu.memory_space<vmem>>, vector<1x16xf32>,
      %swap3A_324 = vector.shape_cast %swap3A_323 : vector<1x16xf32> to vector<16xf32>
      %swap3A_325 = vector.shape_cast %scan3A_305#2 : vector<16xf32> to vector<1x16xf32>
      tpu.vector_store %arg7[%swap3A_321, %swap3A_322], %swap3A_325 {strides = array<i32>} : memref<128x128xf32, #tpu.memory_space<vmem>>, vector<1x16xf32>,
      %swap3A_326 = arith.index_cast %add3A_310 : i32 to index
      %swap3A_327 = arith.constant 48 : index
      %swap3A_328 = tpu.vector_load %arg7[%swap3A_326, %swap3A_327] {strides = array<i32>} : memref<128x128xf32, #tpu.memory_space<vmem>>, vector<1x16xf32>,
      %swap3A_329 = vector.shape_cast %swap3A_328 : vector<1x16xf32> to vector<16xf32>
      %swap3A_330 = vector.shape_cast %scan3A_305#3 : vector<16xf32> to vector<1x16xf32>
      tpu.vector_store %arg7[%swap3A_326, %swap3A_327], %swap3A_330 {strides = array<i32>} : memref<128x128xf32, #tpu.memory_space<vmem>>, vector<1x16xf32>,
      %swap3A_331 = arith.index_cast %add3A_310 : i32 to index
      %swap3A_332 = arith.constant 64 : index
      %swap3A_333 = tpu.vector_load %arg7[%swap3A_331, %swap3A_332] {strides = array<i32>} : memref<128x128xf32, #tpu.memory_space<vmem>>, vector<1x16xf32>,
      %swap3A_334 = vector.shape_cast %swap3A_333 : vector<1x16xf32> to vector<16xf32>
      %swap3A_335 = vector.shape_cast %scan3A_305#4 : vector<16xf32> to vector<1x16xf32>
      tpu.vector_store %arg7[%swap3A_331, %swap3A_332], %swap3A_335 {strides = array<i32>} : memref<128x128xf32, #tpu.memory_space<vmem>>, vector<1x16xf32>,
      %swap3A_336 = arith.index_cast %add3A_310 : i32 to index
      %swap3A_337 = arith.constant 80 : index
      %swap3A_338 = tpu.vector_load %arg7[%swap3A_336, %swap3A_337] {strides = array<i32>} : memref<128x128xf32, #tpu.memory_space<vmem>>, vector<1x16xf32>,
      %swap3A_339 = vector.shape_cast %swap3A_338 : vector<1x16xf32> to vector<16xf32>
      %swap3A_340 = vector.shape_cast %scan3A_305#5 : vector<16xf32> to vector<1x16xf32>
      tpu.vector_store %arg7[%swap3A_336, %swap3A_337], %swap3A_340 {strides = array<i32>} : memref<128x128xf32, #tpu.memory_space<vmem>>, vector<1x16xf32>,
      %swap3A_341 = arith.index_cast %add3A_310 : i32 to index
      %swap3A_342 = arith.constant 96 : index
      %swap3A_343 = tpu.vector_load %arg7[%swap3A_341, %swap3A_342] {strides = array<i32>} : memref<128x128xf32, #tpu.memory_space<vmem>>, vector<1x16xf32>,
      %swap3A_344 = vector.shape_cast %swap3A_343 : vector<1x16xf32> to vector<16xf32>
      %swap3A_345 = vector.shape_cast %scan3A_305#6 : vector<16xf32> to vector<1x16xf32>
      tpu.vector_store %arg7[%swap3A_341, %swap3A_342], %swap3A_345 {strides = array<i32>} : memref<128x128xf32, #tpu.memory_space<vmem>>, vector<1x16xf32>,
      %swap3A_346 = arith.index_cast %add3A_310 : i32 to index
      %swap3A_347 = arith.constant 112 : index
      %swap3A_348 = tpu.vector_load %arg7[%swap3A_346, %swap3A_347] {strides = array<i32>} : memref<128x128xf32, #tpu.memory_space<vmem>>, vector<1x16xf32>,
      %swap3A_349 = vector.shape_cast %swap3A_348 : vector<1x16xf32> to vector<16xf32>
      %swap3A_350 = vector.shape_cast %scan3A_305#7 : vector<16xf32> to vector<1x16xf32>
      tpu.vector_store %arg7[%swap3A_346, %swap3A_347], %swap3A_350 {strides = array<i32>} : memref<128x128xf32, #tpu.memory_space<vmem>>, vector<1x16xf32>,
      %mul3A_351 = arith.constant 4 : i32
      %mul3A_352 = arith.muli %mul3A_351, %scan3A_44 : i32
      %add3A_353 = arith.constant 2 : i32
      %add3A_354 = arith.addi %mul3A_352, %add3A_353 : i32
      %dma_wait3A_355 = arith.constant 2 : i32
      %dma_wait3A_356 = arith.constant 0 : i32
      %dma_wait3A_357 = arith.constant 0 : i32
      %dma_wait3A_358 = tpu.memref_slice %arg6[%dma_wait3A_355, %dma_wait3A_356, %dma_wait3A_357] : memref<4x100x128xf32, #tpu.memory_space<vmem>> -> memref<1x100x128xf32, #tpu.memory_space<vmem>>
      %dma_wait3A_359 = tpu.memref_squeeze %dma_wait3A_358 : memref<1x100x128xf32, #tpu.memory_space<vmem>> -> memref<100x128xf32, #tpu.memory_space<vmem>>
      %dma_wait3A_360 = arith.constant 0 : i32
      %dma_wait3A_361 = tpu.memref_slice %arg5[%add3A_354, %dma_wait3A_360] : memref<64x100xi32, #tpu.memory_space<vmem>> -> memref<1x100xi32, #tpu.memory_space<vmem>>
      %dma_wait3A_362 = tpu.memref_squeeze %dma_wait3A_361 : memref<1x100xi32, #tpu.memory_space<vmem>> -> memref<100xi32, #tpu.memory_space<vmem>>
      %dma_wait3A_363 = arith.constant 0 : i32
      %dma_wait3A_364 = arith.constant 0 : i32
      %dma_wait3A_365 = tpu.memref_slice %arg3[%dma_wait3A_363, %dma_wait3A_364] : memref<100000x128xf32, #tpu.memory_space<hbm>> -> memref<100000x128xf32, #tpu.memory_space<hbm>>
      tpu.wait_indirect_dma semaphore(%arg10 : memref<!tpu.dma_semaphore, #tpu.memory_space<semaphore_mem>>) src(%dma_wait3A_365 : memref<100000x128xf32, #tpu.memory_space<hbm>>) dst(%dma_wait3A_359 : memref<100x128xf32, #tpu.memory_space<vmem>>)
      %add3A_366 = arith.constant 4 : i32
      %add3A_367 = arith.addi %add3A_354, %add3A_366 : i32
      %sub3A_368 = arith.constant 1 : i32
      %sub3A_369 = arith.subi %add3A_367, %sub3A_368 : i32
      %lt3A_370 = arith.constant 64 : i32
      %lt3A_371 = arith.cmpi slt, %sub3A_369, %lt3A_370 : i32
      %convert_element_type3A_372 = arith.extui %lt3A_371 : i1 to i32
      %cond3A_373 = arith.constant 0 : i32
      %cond3A_374 = arith.cmpi ne, %convert_element_type3A_372, %cond3A_373 : i32
      scf.if %cond3A_374 {
        %add3A_664 = arith.constant 4 : i32
        %add3A_665 = arith.addi %add3A_354, %add3A_664 : i32
        %sub3A_666 = arith.constant 1 : i32
        %sub3A_667 = arith.subi %add3A_665, %sub3A_666 : i32
        %dma_start3A_668 = arith.constant 1 : i32
        %dma_start3A_669 = arith.constant 0 : i32
        %dma_start3A_670 = arith.constant 0 : i32
        %dma_start3A_671 = tpu.memref_slice %arg6[%dma_start3A_668, %dma_start3A_669, %dma_start3A_670] : memref<4x100x128xf32, #tpu.memory_space<vmem>> -> memref<1x100x128xf32, #tpu.memory_space<vmem>>
        %dma_start3A_672 = tpu.memref_squeeze %dma_start3A_671 : memref<1x100x128xf32, #tpu.memory_space<vmem>> -> memref<100x128xf32, #tpu.memory_space<vmem>>
        %dma_start3A_673 = arith.constant 0 : i32
        %dma_start3A_674 = tpu.memref_slice %arg5[%sub3A_667, %dma_start3A_673] : memref<64x100xi32, #tpu.memory_space<vmem>> -> memref<1x100xi32, #tpu.memory_space<vmem>>
        %dma_start3A_675 = tpu.memref_squeeze %dma_start3A_674 : memref<1x100xi32, #tpu.memory_space<vmem>> -> memref<100xi32, #tpu.memory_space<vmem>>
        %dma_start3A_676 = arith.constant 0 : i32
        %dma_start3A_677 = arith.constant 0 : i32
        %dma_start3A_678 = tpu.memref_slice %arg3[%dma_start3A_676, %dma_start3A_677] : memref<100000x128xf32, #tpu.memory_space<hbm>> -> memref<100000x128xf32, #tpu.memory_space<hbm>>
        tpu.enqueue_indirect_dma source(%dma_start3A_678 : memref<100000x128xf32, #tpu.memory_space<hbm>>) target(%dma_start3A_672 : memref<100x128xf32, #tpu.memory_space<vmem>>) offsets(%dma_start3A_675 : memref<100xi32, #tpu.memory_space<vmem>>) semaphore(%arg9 : memref<!tpu.dma_semaphore, #tpu.memory_space<semaphore_mem>>)
      } else {
      }
      %broadcast_in_dim3A_375 = arith.constant 0.000000e+00 : f32
      %broadcast_in_dim3A_376 = vector.broadcast %broadcast_in_dim3A_375 : f32 to vector<16xf32>
      %broadcast_in_dim3A_377 = arith.constant 0.000000e+00 : f32
      %broadcast_in_dim3A_378 = vector.broadcast %broadcast_in_dim3A_377 : f32 to vector<16xf32>
      %broadcast_in_dim3A_379 = arith.constant 0.000000e+00 : f32
      %broadcast_in_dim3A_380 = vector.broadcast %broadcast_in_dim3A_379 : f32 to vector<16xf32>
      %broadcast_in_dim3A_381 = arith.constant 0.000000e+00 : f32
      %broadcast_in_dim3A_382 = vector.broadcast %broadcast_in_dim3A_381 : f32 to vector<16xf32>
      %broadcast_in_dim3A_383 = arith.constant 0.000000e+00 : f32
      %broadcast_in_dim3A_384 = vector.broadcast %broadcast_in_dim3A_383 : f32 to vector<16xf32>
      %broadcast_in_dim3A_385 = arith.constant 0.000000e+00 : f32
      %broadcast_in_dim3A_386 = vector.broadcast %broadcast_in_dim3A_385 : f32 to vector<16xf32>
      %broadcast_in_dim3A_387 = arith.constant 0.000000e+00 : f32
      %broadcast_in_dim3A_388 = vector.broadcast %broadcast_in_dim3A_387 : f32 to vector<16xf32>
      %broadcast_in_dim3A_389 = arith.constant 0.000000e+00 : f32
      %broadcast_in_dim3A_390 = vector.broadcast %broadcast_in_dim3A_389 : f32 to vector<16xf32>
      %scan3A_391 = arith.constant 0 : i32
      %scan3A_392 = arith.constant 50 : i32
      %scan3A_393 = arith.addi %scan3A_391, %scan3A_392 : i32
      %scan3A_394 = arith.constant 1 : i32
      %scan3A_395:8 = scf.for %scan3A_664 = %scan3A_391 to %scan3A_393 step %scan3A_394 iter_args(%scan3A_665 = %broadcast_in_dim3A_376, %scan3A_666 = %broadcast_in_dim3A_378, %scan3A_667 = %broadcast_in_dim3A_380, %scan3A_668 = %broadcast_in_dim3A_382, %scan3A_669 = %broadcast_in_dim3A_384, %scan3A_670 = %broadcast_in_dim3A_386, %scan3A_671 = %broadcast_in_dim3A_388, %scan3A_672 = %broadcast_in_dim3A_390) -> (vector<16xf32>, vector<16xf32>, vector<16xf32>, vector<16xf32>, vector<16xf32>, vector<16xf32>, vector<16xf32>, vector<16xf32>)  : i32 {
        %add3A_673 = arith.constant 0 : i32
        %add3A_674 = arith.addi %add3A_673, %scan3A_664 : i32
        %get3A = arith.constant 2 : i32
        %get3A_675 = arith.index_cast %get3A : i32 to index
        %get3A_676 = arith.index_cast %add3A_674 : i32 to index
        %get3A_677 = arith.constant 0 : index
        %get3A_678 = tpu.vector_load %arg6[%get3A_675, %get3A_676, %get3A_677] {strides = array<i32>} : memref<4x100x128xf32, #tpu.memory_space<vmem>>, vector<1x1x16xf32>,
        %get3A_679 = vector.shape_cast %get3A_678 : vector<1x1x16xf32> to vector<16xf32>
        %add3A_680 = arith.addf %scan3A_665, %get3A_679 : vector<16xf32>
        %add3A_681 = arith.constant 0 : i32
        %add3A_682 = arith.addi %add3A_681, %scan3A_664 : i32
        %get3A_683 = arith.constant 2 : i32
        %get3A_684 = arith.index_cast %get3A_683 : i32 to index
        %get3A_685 = arith.index_cast %add3A_682 : i32 to index
        %get3A_686 = arith.constant 16 : index
        %get3A_687 = tpu.vector_load %arg6[%get3A_684, %get3A_685, %get3A_686] {strides = array<i32>} : memref<4x100x128xf32, #tpu.memory_space<vmem>>, vector<1x1x16xf32>,
        %get3A_688 = vector.shape_cast %get3A_687 : vector<1x1x16xf32> to vector<16xf32>
        %add3A_689 = arith.addf %scan3A_666, %get3A_688 : vector<16xf32>
        %add3A_690 = arith.constant 0 : i32
        %add3A_691 = arith.addi %add3A_690, %scan3A_664 : i32
        %get3A_692 = arith.constant 2 : i32
        %get3A_693 = arith.index_cast %get3A_692 : i32 to index
        %get3A_694 = arith.index_cast %add3A_691 : i32 to index
        %get3A_695 = arith.constant 32 : index
        %get3A_696 = tpu.vector_load %arg6[%get3A_693, %get3A_694, %get3A_695] {strides = array<i32>} : memref<4x100x128xf32, #tpu.memory_space<vmem>>, vector<1x1x16xf32>,
        %get3A_697 = vector.shape_cast %get3A_696 : vector<1x1x16xf32> to vector<16xf32>
        %add3A_698 = arith.addf %scan3A_667, %get3A_697 : vector<16xf32>
        %add3A_699 = arith.constant 0 : i32
        %add3A_700 = arith.addi %add3A_699, %scan3A_664 : i32
        %get3A_701 = arith.constant 2 : i32
        %get3A_702 = arith.index_cast %get3A_701 : i32 to index
        %get3A_703 = arith.index_cast %add3A_700 : i32 to index
        %get3A_704 = arith.constant 48 : index
        %get3A_705 = tpu.vector_load %arg6[%get3A_702, %get3A_703, %get3A_704] {strides = array<i32>} : memref<4x100x128xf32, #tpu.memory_space<vmem>>, vector<1x1x16xf32>,
        %get3A_706 = vector.shape_cast %get3A_705 : vector<1x1x16xf32> to vector<16xf32>
        %add3A_707 = arith.addf %scan3A_668, %get3A_706 : vector<16xf32>
        %add3A_708 = arith.constant 0 : i32
        %add3A_709 = arith.addi %add3A_708, %scan3A_664 : i32
        %get3A_710 = arith.constant 2 : i32
        %get3A_711 = arith.index_cast %get3A_710 : i32 to index
        %get3A_712 = arith.index_cast %add3A_709 : i32 to index
        %get3A_713 = arith.constant 64 : index
        %get3A_714 = tpu.vector_load %arg6[%get3A_711, %get3A_712, %get3A_713] {strides = array<i32>} : memref<4x100x128xf32, #tpu.memory_space<vmem>>, vector<1x1x16xf32>,
        %get3A_715 = vector.shape_cast %get3A_714 : vector<1x1x16xf32> to vector<16xf32>
        %add3A_716 = arith.addf %scan3A_669, %get3A_715 : vector<16xf32>
        %add3A_717 = arith.constant 0 : i32
        %add3A_718 = arith.addi %add3A_717, %scan3A_664 : i32
        %get3A_719 = arith.constant 2 : i32
        %get3A_720 = arith.index_cast %get3A_719 : i32 to index
        %get3A_721 = arith.index_cast %add3A_718 : i32 to index
        %get3A_722 = arith.constant 80 : index
        %get3A_723 = tpu.vector_load %arg6[%get3A_720, %get3A_721, %get3A_722] {strides = array<i32>} : memref<4x100x128xf32, #tpu.memory_space<vmem>>, vector<1x1x16xf32>,
        %get3A_724 = vector.shape_cast %get3A_723 : vector<1x1x16xf32> to vector<16xf32>
        %add3A_725 = arith.addf %scan3A_670, %get3A_724 : vector<16xf32>
        %add3A_726 = arith.constant 0 : i32
        %add3A_727 = arith.addi %add3A_726, %scan3A_664 : i32
        %get3A_728 = arith.constant 2 : i32
        %get3A_729 = arith.index_cast %get3A_728 : i32 to index
        %get3A_730 = arith.index_cast %add3A_727 : i32 to index
        %get3A_731 = arith.constant 96 : index
        %get3A_732 = tpu.vector_load %arg6[%get3A_729, %get3A_730, %get3A_731] {strides = array<i32>} : memref<4x100x128xf32, #tpu.memory_space<vmem>>, vector<1x1x16xf32>,
        %get3A_733 = vector.shape_cast %get3A_732 : vector<1x1x16xf32> to vector<16xf32>
        %add3A_734 = arith.addf %scan3A_671, %get3A_733 : vector<16xf32>
        %add3A_735 = arith.constant 0 : i32
        %add3A_736 = arith.addi %add3A_735, %scan3A_664 : i32
        %get3A_737 = arith.constant 2 : i32
        %get3A_738 = arith.index_cast %get3A_737 : i32 to index
        %get3A_739 = arith.index_cast %add3A_736 : i32 to index
        %get3A_740 = arith.constant 112 : index
        %get3A_741 = tpu.vector_load %arg6[%get3A_738, %get3A_739, %get3A_740] {strides = array<i32>} : memref<4x100x128xf32, #tpu.memory_space<vmem>>, vector<1x1x16xf32>,
        %get3A_742 = vector.shape_cast %get3A_741 : vector<1x1x16xf32> to vector<16xf32>
        %add3A_743 = arith.addf %scan3A_672, %get3A_742 : vector<16xf32>
        scf.yield %add3A_680, %add3A_689, %add3A_698, %add3A_707, %add3A_716, %add3A_725, %add3A_734, %add3A_743 : vector<16xf32>, vector<16xf32>, vector<16xf32>, vector<16xf32>, vector<16xf32>, vector<16xf32>, vector<16xf32>, vector<16xf32>
      }
      %scan3A_396 = arith.constant 50 : i32
      %mul3A_397 = arith.constant 2 : i32
      %mul3A_398 = arith.muli %add3A_354, %mul3A_397 : i32
      %add3A_399 = arith.constant 0 : i32
      %add3A_400 = arith.addi %mul3A_398, %add3A_399 : i32
      %swap3A_401 = arith.index_cast %add3A_400 : i32 to index
      %swap3A_402 = arith.constant 0 : index
      %swap3A_403 = tpu.vector_load %arg7[%swap3A_401, %swap3A_402] {strides = array<i32>} : memref<128x128xf32, #tpu.memory_space<vmem>>, vector<1x16xf32>,
      %swap3A_404 = vector.shape_cast %swap3A_403 : vector<1x16xf32> to vector<16xf32>
      %swap3A_405 = vector.shape_cast %scan3A_395#0 : vector<16xf32> to vector<1x16xf32>
      tpu.vector_store %arg7[%swap3A_401, %swap3A_402], %swap3A_405 {strides = array<i32>} : memref<128x128xf32, #tpu.memory_space<vmem>>, vector<1x16xf32>,
      %swap3A_406 = arith.index_cast %add3A_400 : i32 to index
      %swap3A_407 = arith.constant 16 : index
      %swap3A_408 = tpu.vector_load %arg7[%swap3A_406, %swap3A_407] {strides = array<i32>} : memref<128x128xf32, #tpu.memory_space<vmem>>, vector<1x16xf32>,
      %swap3A_409 = vector.shape_cast %swap3A_408 : vector<1x16xf32> to vector<16xf32>
      %swap3A_410 = vector.shape_cast %scan3A_395#1 : vector<16xf32> to vector<1x16xf32>
      tpu.vector_store %arg7[%swap3A_406, %swap3A_407], %swap3A_410 {strides = array<i32>} : memref<128x128xf32, #tpu.memory_space<vmem>>, vector<1x16xf32>,
      %swap3A_411 = arith.index_cast %add3A_400 : i32 to index
      %swap3A_412 = arith.constant 32 : index
      %swap3A_413 = tpu.vector_load %arg7[%swap3A_411, %swap3A_412] {strides = array<i32>} : memref<128x128xf32, #tpu.memory_space<vmem>>, vector<1x16xf32>,
      %swap3A_414 = vector.shape_cast %swap3A_413 : vector<1x16xf32> to vector<16xf32>
      %swap3A_415 = vector.shape_cast %scan3A_395#2 : vector<16xf32> to vector<1x16xf32>
      tpu.vector_store %arg7[%swap3A_411, %swap3A_412], %swap3A_415 {strides = array<i32>} : memref<128x128xf32, #tpu.memory_space<vmem>>, vector<1x16xf32>,
      %swap3A_416 = arith.index_cast %add3A_400 : i32 to index
      %swap3A_417 = arith.constant 48 : index
      %swap3A_418 = tpu.vector_load %arg7[%swap3A_416, %swap3A_417] {strides = array<i32>} : memref<128x128xf32, #tpu.memory_space<vmem>>, vector<1x16xf32>,
      %swap3A_419 = vector.shape_cast %swap3A_418 : vector<1x16xf32> to vector<16xf32>
      %swap3A_420 = vector.shape_cast %scan3A_395#3 : vector<16xf32> to vector<1x16xf32>
      tpu.vector_store %arg7[%swap3A_416, %swap3A_417], %swap3A_420 {strides = array<i32>} : memref<128x128xf32, #tpu.memory_space<vmem>>, vector<1x16xf32>,
      %swap3A_421 = arith.index_cast %add3A_400 : i32 to index
      %swap3A_422 = arith.constant 64 : index
      %swap3A_423 = tpu.vector_load %arg7[%swap3A_421, %swap3A_422] {strides = array<i32>} : memref<128x128xf32, #tpu.memory_space<vmem>>, vector<1x16xf32>,
      %swap3A_424 = vector.shape_cast %swap3A_423 : vector<1x16xf32> to vector<16xf32>
      %swap3A_425 = vector.shape_cast %scan3A_395#4 : vector<16xf32> to vector<1x16xf32>
      tpu.vector_store %arg7[%swap3A_421, %swap3A_422], %swap3A_425 {strides = array<i32>} : memref<128x128xf32, #tpu.memory_space<vmem>>, vector<1x16xf32>,
      %swap3A_426 = arith.index_cast %add3A_400 : i32 to index
      %swap3A_427 = arith.constant 80 : index
      %swap3A_428 = tpu.vector_load %arg7[%swap3A_426, %swap3A_427] {strides = array<i32>} : memref<128x128xf32, #tpu.memory_space<vmem>>, vector<1x16xf32>,
      %swap3A_429 = vector.shape_cast %swap3A_428 : vector<1x16xf32> to vector<16xf32>
      %swap3A_430 = vector.shape_cast %scan3A_395#5 : vector<16xf32> to vector<1x16xf32>
      tpu.vector_store %arg7[%swap3A_426, %swap3A_427], %swap3A_430 {strides = array<i32>} : memref<128x128xf32, #tpu.memory_space<vmem>>, vector<1x16xf32>,
      %swap3A_431 = arith.index_cast %add3A_400 : i32 to index
      %swap3A_432 = arith.constant 96 : index
      %swap3A_433 = tpu.vector_load %arg7[%swap3A_431, %swap3A_432] {strides = array<i32>} : memref<128x128xf32, #tpu.memory_space<vmem>>, vector<1x16xf32>,
      %swap3A_434 = vector.shape_cast %swap3A_433 : vector<1x16xf32> to vector<16xf32>
      %swap3A_435 = vector.shape_cast %scan3A_395#6 : vector<16xf32> to vector<1x16xf32>
      tpu.vector_store %arg7[%swap3A_431, %swap3A_432], %swap3A_435 {strides = array<i32>} : memref<128x128xf32, #tpu.memory_space<vmem>>, vector<1x16xf32>,
      %swap3A_436 = arith.index_cast %add3A_400 : i32 to index
      %swap3A_437 = arith.constant 112 : index
      %swap3A_438 = tpu.vector_load %arg7[%swap3A_436, %swap3A_437] {strides = array<i32>} : memref<128x128xf32, #tpu.memory_space<vmem>>, vector<1x16xf32>,
      %swap3A_439 = vector.shape_cast %swap3A_438 : vector<1x16xf32> to vector<16xf32>
      %swap3A_440 = vector.shape_cast %scan3A_395#7 : vector<16xf32> to vector<1x16xf32>
      tpu.vector_store %arg7[%swap3A_436, %swap3A_437], %swap3A_440 {strides = array<i32>} : memref<128x128xf32, #tpu.memory_space<vmem>>, vector<1x16xf32>,
      %broadcast_in_dim3A_441 = arith.constant 0.000000e+00 : f32
      %broadcast_in_dim3A_442 = vector.broadcast %broadcast_in_dim3A_441 : f32 to vector<16xf32>
      %broadcast_in_dim3A_443 = arith.constant 0.000000e+00 : f32
      %broadcast_in_dim3A_444 = vector.broadcast %broadcast_in_dim3A_443 : f32 to vector<16xf32>
      %broadcast_in_dim3A_445 = arith.constant 0.000000e+00 : f32
      %broadcast_in_dim3A_446 = vector.broadcast %broadcast_in_dim3A_445 : f32 to vector<16xf32>
      %broadcast_in_dim3A_447 = arith.constant 0.000000e+00 : f32
      %broadcast_in_dim3A_448 = vector.broadcast %broadcast_in_dim3A_447 : f32 to vector<16xf32>
      %broadcast_in_dim3A_449 = arith.constant 0.000000e+00 : f32
      %broadcast_in_dim3A_450 = vector.broadcast %broadcast_in_dim3A_449 : f32 to vector<16xf32>
      %broadcast_in_dim3A_451 = arith.constant 0.000000e+00 : f32
      %broadcast_in_dim3A_452 = vector.broadcast %broadcast_in_dim3A_451 : f32 to vector<16xf32>
      %broadcast_in_dim3A_453 = arith.constant 0.000000e+00 : f32
      %broadcast_in_dim3A_454 = vector.broadcast %broadcast_in_dim3A_453 : f32 to vector<16xf32>
      %broadcast_in_dim3A_455 = arith.constant 0.000000e+00 : f32
      %broadcast_in_dim3A_456 = vector.broadcast %broadcast_in_dim3A_455 : f32 to vector<16xf32>
      %scan3A_457 = arith.constant 0 : i32
      %scan3A_458 = arith.constant 50 : i32
      %scan3A_459 = arith.addi %scan3A_457, %scan3A_458 : i32
      %scan3A_460 = arith.constant 1 : i32
      %scan3A_461:8 = scf.for %scan3A_664 = %scan3A_457 to %scan3A_459 step %scan3A_460 iter_args(%scan3A_665 = %broadcast_in_dim3A_442, %scan3A_666 = %broadcast_in_dim3A_444, %scan3A_667 = %broadcast_in_dim3A_446, %scan3A_668 = %broadcast_in_dim3A_448, %scan3A_669 = %broadcast_in_dim3A_450, %scan3A_670 = %broadcast_in_dim3A_452, %scan3A_671 = %broadcast_in_dim3A_454, %scan3A_672 = %broadcast_in_dim3A_456) -> (vector<16xf32>, vector<16xf32>, vector<16xf32>, vector<16xf32>, vector<16xf32>, vector<16xf32>, vector<16xf32>, vector<16xf32>)  : i32 {
        %add3A_673 = arith.constant 50 : i32
        %add3A_674 = arith.addi %add3A_673, %scan3A_664 : i32
        %get3A = arith.constant 2 : i32
        %get3A_675 = arith.index_cast %get3A : i32 to index
        %get3A_676 = arith.index_cast %add3A_674 : i32 to index
        %get3A_677 = arith.constant 0 : index
        %get3A_678 = tpu.vector_load %arg6[%get3A_675, %get3A_676, %get3A_677] {strides = array<i32>} : memref<4x100x128xf32, #tpu.memory_space<vmem>>, vector<1x1x16xf32>,
        %get3A_679 = vector.shape_cast %get3A_678 : vector<1x1x16xf32> to vector<16xf32>
        %add3A_680 = arith.addf %scan3A_665, %get3A_679 : vector<16xf32>
        %add3A_681 = arith.constant 50 : i32
        %add3A_682 = arith.addi %add3A_681, %scan3A_664 : i32
        %get3A_683 = arith.constant 2 : i32
        %get3A_684 = arith.index_cast %get3A_683 : i32 to index
        %get3A_685 = arith.index_cast %add3A_682 : i32 to index
        %get3A_686 = arith.constant 16 : index
        %get3A_687 = tpu.vector_load %arg6[%get3A_684, %get3A_685, %get3A_686] {strides = array<i32>} : memref<4x100x128xf32, #tpu.memory_space<vmem>>, vector<1x1x16xf32>,
        %get3A_688 = vector.shape_cast %get3A_687 : vector<1x1x16xf32> to vector<16xf32>
        %add3A_689 = arith.addf %scan3A_666, %get3A_688 : vector<16xf32>
        %add3A_690 = arith.constant 50 : i32
        %add3A_691 = arith.addi %add3A_690, %scan3A_664 : i32
        %get3A_692 = arith.constant 2 : i32
        %get3A_693 = arith.index_cast %get3A_692 : i32 to index
        %get3A_694 = arith.index_cast %add3A_691 : i32 to index
        %get3A_695 = arith.constant 32 : index
        %get3A_696 = tpu.vector_load %arg6[%get3A_693, %get3A_694, %get3A_695] {strides = array<i32>} : memref<4x100x128xf32, #tpu.memory_space<vmem>>, vector<1x1x16xf32>,
        %get3A_697 = vector.shape_cast %get3A_696 : vector<1x1x16xf32> to vector<16xf32>
        %add3A_698 = arith.addf %scan3A_667, %get3A_697 : vector<16xf32>
        %add3A_699 = arith.constant 50 : i32
        %add3A_700 = arith.addi %add3A_699, %scan3A_664 : i32
        %get3A_701 = arith.constant 2 : i32
        %get3A_702 = arith.index_cast %get3A_701 : i32 to index
        %get3A_703 = arith.index_cast %add3A_700 : i32 to index
        %get3A_704 = arith.constant 48 : index
        %get3A_705 = tpu.vector_load %arg6[%get3A_702, %get3A_703, %get3A_704] {strides = array<i32>} : memref<4x100x128xf32, #tpu.memory_space<vmem>>, vector<1x1x16xf32>,
        %get3A_706 = vector.shape_cast %get3A_705 : vector<1x1x16xf32> to vector<16xf32>
        %add3A_707 = arith.addf %scan3A_668, %get3A_706 : vector<16xf32>
        %add3A_708 = arith.constant 50 : i32
        %add3A_709 = arith.addi %add3A_708, %scan3A_664 : i32
        %get3A_710 = arith.constant 2 : i32
        %get3A_711 = arith.index_cast %get3A_710 : i32 to index
        %get3A_712 = arith.index_cast %add3A_709 : i32 to index
        %get3A_713 = arith.constant 64 : index
        %get3A_714 = tpu.vector_load %arg6[%get3A_711, %get3A_712, %get3A_713] {strides = array<i32>} : memref<4x100x128xf32, #tpu.memory_space<vmem>>, vector<1x1x16xf32>,
        %get3A_715 = vector.shape_cast %get3A_714 : vector<1x1x16xf32> to vector<16xf32>
        %add3A_716 = arith.addf %scan3A_669, %get3A_715 : vector<16xf32>
        %add3A_717 = arith.constant 50 : i32
        %add3A_718 = arith.addi %add3A_717, %scan3A_664 : i32
        %get3A_719 = arith.constant 2 : i32
        %get3A_720 = arith.index_cast %get3A_719 : i32 to index
        %get3A_721 = arith.index_cast %add3A_718 : i32 to index
        %get3A_722 = arith.constant 80 : index
        %get3A_723 = tpu.vector_load %arg6[%get3A_720, %get3A_721, %get3A_722] {strides = array<i32>} : memref<4x100x128xf32, #tpu.memory_space<vmem>>, vector<1x1x16xf32>,
        %get3A_724 = vector.shape_cast %get3A_723 : vector<1x1x16xf32> to vector<16xf32>
        %add3A_725 = arith.addf %scan3A_670, %get3A_724 : vector<16xf32>
        %add3A_726 = arith.constant 50 : i32
        %add3A_727 = arith.addi %add3A_726, %scan3A_664 : i32
        %get3A_728 = arith.constant 2 : i32
        %get3A_729 = arith.index_cast %get3A_728 : i32 to index
        %get3A_730 = arith.index_cast %add3A_727 : i32 to index
        %get3A_731 = arith.constant 96 : index
        %get3A_732 = tpu.vector_load %arg6[%get3A_729, %get3A_730, %get3A_731] {strides = array<i32>} : memref<4x100x128xf32, #tpu.memory_space<vmem>>, vector<1x1x16xf32>,
        %get3A_733 = vector.shape_cast %get3A_732 : vector<1x1x16xf32> to vector<16xf32>
        %add3A_734 = arith.addf %scan3A_671, %get3A_733 : vector<16xf32>
        %add3A_735 = arith.constant 50 : i32
        %add3A_736 = arith.addi %add3A_735, %scan3A_664 : i32
        %get3A_737 = arith.constant 2 : i32
        %get3A_738 = arith.index_cast %get3A_737 : i32 to index
        %get3A_739 = arith.index_cast %add3A_736 : i32 to index
        %get3A_740 = arith.constant 112 : index
        %get3A_741 = tpu.vector_load %arg6[%get3A_738, %get3A_739, %get3A_740] {strides = array<i32>} : memref<4x100x128xf32, #tpu.memory_space<vmem>>, vector<1x1x16xf32>,
        %get3A_742 = vector.shape_cast %get3A_741 : vector<1x1x16xf32> to vector<16xf32>
        %add3A_743 = arith.addf %scan3A_672, %get3A_742 : vector<16xf32>
        scf.yield %add3A_680, %add3A_689, %add3A_698, %add3A_707, %add3A_716, %add3A_725, %add3A_734, %add3A_743 : vector<16xf32>, vector<16xf32>, vector<16xf32>, vector<16xf32>, vector<16xf32>, vector<16xf32>, vector<16xf32>, vector<16xf32>
      }
      %scan3A_462 = arith.constant 50 : i32
      %mul3A_463 = arith.constant 2 : i32
      %mul3A_464 = arith.muli %add3A_354, %mul3A_463 : i32
      %add3A_465 = arith.constant 1 : i32
      %add3A_466 = arith.addi %mul3A_464, %add3A_465 : i32
      %swap3A_467 = arith.index_cast %add3A_466 : i32 to index
      %swap3A_468 = arith.constant 0 : index
      %swap3A_469 = tpu.vector_load %arg7[%swap3A_467, %swap3A_468] {strides = array<i32>} : memref<128x128xf32, #tpu.memory_space<vmem>>, vector<1x16xf32>,
      %swap3A_470 = vector.shape_cast %swap3A_469 : vector<1x16xf32> to vector<16xf32>
      %swap3A_471 = vector.shape_cast %scan3A_461#0 : vector<16xf32> to vector<1x16xf32>
      tpu.vector_store %arg7[%swap3A_467, %swap3A_468], %swap3A_471 {strides = array<i32>} : memref<128x128xf32, #tpu.memory_space<vmem>>, vector<1x16xf32>,
      %swap3A_472 = arith.index_cast %add3A_466 : i32 to index
      %swap3A_473 = arith.constant 16 : index
      %swap3A_474 = tpu.vector_load %arg7[%swap3A_472, %swap3A_473] {strides = array<i32>} : memref<128x128xf32, #tpu.memory_space<vmem>>, vector<1x16xf32>,
      %swap3A_475 = vector.shape_cast %swap3A_474 : vector<1x16xf32> to vector<16xf32>
      %swap3A_476 = vector.shape_cast %scan3A_461#1 : vector<16xf32> to vector<1x16xf32>
      tpu.vector_store %arg7[%swap3A_472, %swap3A_473], %swap3A_476 {strides = array<i32>} : memref<128x128xf32, #tpu.memory_space<vmem>>, vector<1x16xf32>,
      %swap3A_477 = arith.index_cast %add3A_466 : i32 to index
      %swap3A_478 = arith.constant 32 : index
      %swap3A_479 = tpu.vector_load %arg7[%swap3A_477, %swap3A_478] {strides = array<i32>} : memref<128x128xf32, #tpu.memory_space<vmem>>, vector<1x16xf32>,
      %swap3A_480 = vector.shape_cast %swap3A_479 : vector<1x16xf32> to vector<16xf32>
      %swap3A_481 = vector.shape_cast %scan3A_461#2 : vector<16xf32> to vector<1x16xf32>
      tpu.vector_store %arg7[%swap3A_477, %swap3A_478], %swap3A_481 {strides = array<i32>} : memref<128x128xf32, #tpu.memory_space<vmem>>, vector<1x16xf32>,
      %swap3A_482 = arith.index_cast %add3A_466 : i32 to index
      %swap3A_483 = arith.constant 48 : index
      %swap3A_484 = tpu.vector_load %arg7[%swap3A_482, %swap3A_483] {strides = array<i32>} : memref<128x128xf32, #tpu.memory_space<vmem>>, vector<1x16xf32>,
      %swap3A_485 = vector.shape_cast %swap3A_484 : vector<1x16xf32> to vector<16xf32>
      %swap3A_486 = vector.shape_cast %scan3A_461#3 : vector<16xf32> to vector<1x16xf32>
      tpu.vector_store %arg7[%swap3A_482, %swap3A_483], %swap3A_486 {strides = array<i32>} : memref<128x128xf32, #tpu.memory_space<vmem>>, vector<1x16xf32>,
      %swap3A_487 = arith.index_cast %add3A_466 : i32 to index
      %swap3A_488 = arith.constant 64 : index
      %swap3A_489 = tpu.vector_load %arg7[%swap3A_487, %swap3A_488] {strides = array<i32>} : memref<128x128xf32, #tpu.memory_space<vmem>>, vector<1x16xf32>,
      %swap3A_490 = vector.shape_cast %swap3A_489 : vector<1x16xf32> to vector<16xf32>
      %swap3A_491 = vector.shape_cast %scan3A_461#4 : vector<16xf32> to vector<1x16xf32>
      tpu.vector_store %arg7[%swap3A_487, %swap3A_488], %swap3A_491 {strides = array<i32>} : memref<128x128xf32, #tpu.memory_space<vmem>>, vector<1x16xf32>,
      %swap3A_492 = arith.index_cast %add3A_466 : i32 to index
      %swap3A_493 = arith.constant 80 : index
      %swap3A_494 = tpu.vector_load %arg7[%swap3A_492, %swap3A_493] {strides = array<i32>} : memref<128x128xf32, #tpu.memory_space<vmem>>, vector<1x16xf32>,
      %swap3A_495 = vector.shape_cast %swap3A_494 : vector<1x16xf32> to vector<16xf32>
      %swap3A_496 = vector.shape_cast %scan3A_461#5 : vector<16xf32> to vector<1x16xf32>
      tpu.vector_store %arg7[%swap3A_492, %swap3A_493], %swap3A_496 {strides = array<i32>} : memref<128x128xf32, #tpu.memory_space<vmem>>, vector<1x16xf32>,
      %swap3A_497 = arith.index_cast %add3A_466 : i32 to index
      %swap3A_498 = arith.constant 96 : index
      %swap3A_499 = tpu.vector_load %arg7[%swap3A_497, %swap3A_498] {strides = array<i32>} : memref<128x128xf32, #tpu.memory_space<vmem>>, vector<1x16xf32>,
      %swap3A_500 = vector.shape_cast %swap3A_499 : vector<1x16xf32> to vector<16xf32>
      %swap3A_501 = vector.shape_cast %scan3A_461#6 : vector<16xf32> to vector<1x16xf32>
      tpu.vector_store %arg7[%swap3A_497, %swap3A_498], %swap3A_501 {strides = array<i32>} : memref<128x128xf32, #tpu.memory_space<vmem>>, vector<1x16xf32>,
      %swap3A_502 = arith.index_cast %add3A_466 : i32 to index
      %swap3A_503 = arith.constant 112 : index
      %swap3A_504 = tpu.vector_load %arg7[%swap3A_502, %swap3A_503] {strides = array<i32>} : memref<128x128xf32, #tpu.memory_space<vmem>>, vector<1x16xf32>,
      %swap3A_505 = vector.shape_cast %swap3A_504 : vector<1x16xf32> to vector<16xf32>
      %swap3A_506 = vector.shape_cast %scan3A_461#7 : vector<16xf32> to vector<1x16xf32>
      tpu.vector_store %arg7[%swap3A_502, %swap3A_503], %swap3A_506 {strides = array<i32>} : memref<128x128xf32, #tpu.memory_space<vmem>>, vector<1x16xf32>,
      %mul3A_507 = arith.constant 4 : i32
      %mul3A_508 = arith.muli %mul3A_507, %scan3A_44 : i32
      %add3A_509 = arith.constant 3 : i32
      %add3A_510 = arith.addi %mul3A_508, %add3A_509 : i32
      %dma_wait3A_511 = arith.constant 3 : i32
      %dma_wait3A_512 = arith.constant 0 : i32
      %dma_wait3A_513 = arith.constant 0 : i32
      %dma_wait3A_514 = tpu.memref_slice %arg6[%dma_wait3A_511, %dma_wait3A_512, %dma_wait3A_513] : memref<4x100x128xf32, #tpu.memory_space<vmem>> -> memref<1x100x128xf32, #tpu.memory_space<vmem>>
      %dma_wait3A_515 = tpu.memref_squeeze %dma_wait3A_514 : memref<1x100x128xf32, #tpu.memory_space<vmem>> -> memref<100x128xf32, #tpu.memory_space<vmem>>
      %dma_wait3A_516 = arith.constant 0 : i32
      %dma_wait3A_517 = tpu.memref_slice %arg5[%add3A_510, %dma_wait3A_516] : memref<64x100xi32, #tpu.memory_space<vmem>> -> memref<1x100xi32, #tpu.memory_space<vmem>>
      %dma_wait3A_518 = tpu.memref_squeeze %dma_wait3A_517 : memref<1x100xi32, #tpu.memory_space<vmem>> -> memref<100xi32, #tpu.memory_space<vmem>>
      %dma_wait3A_519 = arith.constant 0 : i32
      %dma_wait3A_520 = arith.constant 0 : i32
      %dma_wait3A_521 = tpu.memref_slice %arg3[%dma_wait3A_519, %dma_wait3A_520] : memref<100000x128xf32, #tpu.memory_space<hbm>> -> memref<100000x128xf32, #tpu.memory_space<hbm>>
      tpu.wait_indirect_dma semaphore(%arg11 : memref<!tpu.dma_semaphore, #tpu.memory_space<semaphore_mem>>) src(%dma_wait3A_521 : memref<100000x128xf32, #tpu.memory_space<hbm>>) dst(%dma_wait3A_515 : memref<100x128xf32, #tpu.memory_space<vmem>>)
      %add3A_522 = arith.constant 4 : i32
      %add3A_523 = arith.addi %add3A_510, %add3A_522 : i32
      %sub3A_524 = arith.constant 1 : i32
      %sub3A_525 = arith.subi %add3A_523, %sub3A_524 : i32
      %lt3A_526 = arith.constant 64 : i32
      %lt3A_527 = arith.cmpi slt, %sub3A_525, %lt3A_526 : i32
      %convert_element_type3A_528 = arith.extui %lt3A_527 : i1 to i32
      %cond3A_529 = arith.constant 0 : i32
      %cond3A_530 = arith.cmpi ne, %convert_element_type3A_528, %cond3A_529 : i32
      scf.if %cond3A_530 {
        %add3A_664 = arith.constant 4 : i32
        %add3A_665 = arith.addi %add3A_510, %add3A_664 : i32
        %sub3A_666 = arith.constant 1 : i32
        %sub3A_667 = arith.subi %add3A_665, %sub3A_666 : i32
        %dma_start3A_668 = arith.constant 2 : i32
        %dma_start3A_669 = arith.constant 0 : i32
        %dma_start3A_670 = arith.constant 0 : i32
        %dma_start3A_671 = tpu.memref_slice %arg6[%dma_start3A_668, %dma_start3A_669, %dma_start3A_670] : memref<4x100x128xf32, #tpu.memory_space<vmem>> -> memref<1x100x128xf32, #tpu.memory_space<vmem>>
        %dma_start3A_672 = tpu.memref_squeeze %dma_start3A_671 : memref<1x100x128xf32, #tpu.memory_space<vmem>> -> memref<100x128xf32, #tpu.memory_space<vmem>>
        %dma_start3A_673 = arith.constant 0 : i32
        %dma_start3A_674 = tpu.memref_slice %arg5[%sub3A_667, %dma_start3A_673] : memref<64x100xi32, #tpu.memory_space<vmem>> -> memref<1x100xi32, #tpu.memory_space<vmem>>
        %dma_start3A_675 = tpu.memref_squeeze %dma_start3A_674 : memref<1x100xi32, #tpu.memory_space<vmem>> -> memref<100xi32, #tpu.memory_space<vmem>>
        %dma_start3A_676 = arith.constant 0 : i32
        %dma_start3A_677 = arith.constant 0 : i32
        %dma_start3A_678 = tpu.memref_slice %arg3[%dma_start3A_676, %dma_start3A_677] : memref<100000x128xf32, #tpu.memory_space<hbm>> -> memref<100000x128xf32, #tpu.memory_space<hbm>>
        tpu.enqueue_indirect_dma source(%dma_start3A_678 : memref<100000x128xf32, #tpu.memory_space<hbm>>) target(%dma_start3A_672 : memref<100x128xf32, #tpu.memory_space<vmem>>) offsets(%dma_start3A_675 : memref<100xi32, #tpu.memory_space<vmem>>) semaphore(%arg10 : memref<!tpu.dma_semaphore, #tpu.memory_space<semaphore_mem>>)
      } else {
      }
      %broadcast_in_dim3A_531 = arith.constant 0.000000e+00 : f32
      %broadcast_in_dim3A_532 = vector.broadcast %broadcast_in_dim3A_531 : f32 to vector<16xf32>
      %broadcast_in_dim3A_533 = arith.constant 0.000000e+00 : f32
      %broadcast_in_dim3A_534 = vector.broadcast %broadcast_in_dim3A_533 : f32 to vector<16xf32>
      %broadcast_in_dim3A_535 = arith.constant 0.000000e+00 : f32
      %broadcast_in_dim3A_536 = vector.broadcast %broadcast_in_dim3A_535 : f32 to vector<16xf32>
      %broadcast_in_dim3A_537 = arith.constant 0.000000e+00 : f32
      %broadcast_in_dim3A_538 = vector.broadcast %broadcast_in_dim3A_537 : f32 to vector<16xf32>
      %broadcast_in_dim3A_539 = arith.constant 0.000000e+00 : f32
      %broadcast_in_dim3A_540 = vector.broadcast %broadcast_in_dim3A_539 : f32 to vector<16xf32>
      %broadcast_in_dim3A_541 = arith.constant 0.000000e+00 : f32
      %broadcast_in_dim3A_542 = vector.broadcast %broadcast_in_dim3A_541 : f32 to vector<16xf32>
      %broadcast_in_dim3A_543 = arith.constant 0.000000e+00 : f32
      %broadcast_in_dim3A_544 = vector.broadcast %broadcast_in_dim3A_543 : f32 to vector<16xf32>
      %broadcast_in_dim3A_545 = arith.constant 0.000000e+00 : f32
      %broadcast_in_dim3A_546 = vector.broadcast %broadcast_in_dim3A_545 : f32 to vector<16xf32>
      %scan3A_547 = arith.constant 0 : i32
      %scan3A_548 = arith.constant 50 : i32
      %scan3A_549 = arith.addi %scan3A_547, %scan3A_548 : i32
      %scan3A_550 = arith.constant 1 : i32
      %scan3A_551:8 = scf.for %scan3A_664 = %scan3A_547 to %scan3A_549 step %scan3A_550 iter_args(%scan3A_665 = %broadcast_in_dim3A_532, %scan3A_666 = %broadcast_in_dim3A_534, %scan3A_667 = %broadcast_in_dim3A_536, %scan3A_668 = %broadcast_in_dim3A_538, %scan3A_669 = %broadcast_in_dim3A_540, %scan3A_670 = %broadcast_in_dim3A_542, %scan3A_671 = %broadcast_in_dim3A_544, %scan3A_672 = %broadcast_in_dim3A_546) -> (vector<16xf32>, vector<16xf32>, vector<16xf32>, vector<16xf32>, vector<16xf32>, vector<16xf32>, vector<16xf32>, vector<16xf32>)  : i32 {
        %add3A_673 = arith.constant 0 : i32
        %add3A_674 = arith.addi %add3A_673, %scan3A_664 : i32
        %get3A = arith.constant 3 : i32
        %get3A_675 = arith.index_cast %get3A : i32 to index
        %get3A_676 = arith.index_cast %add3A_674 : i32 to index
        %get3A_677 = arith.constant 0 : index
        %get3A_678 = tpu.vector_load %arg6[%get3A_675, %get3A_676, %get3A_677] {strides = array<i32>} : memref<4x100x128xf32, #tpu.memory_space<vmem>>, vector<1x1x16xf32>,
        %get3A_679 = vector.shape_cast %get3A_678 : vector<1x1x16xf32> to vector<16xf32>
        %add3A_680 = arith.addf %scan3A_665, %get3A_679 : vector<16xf32>
        %add3A_681 = arith.constant 0 : i32
        %add3A_682 = arith.addi %add3A_681, %scan3A_664 : i32
        %get3A_683 = arith.constant 3 : i32
        %get3A_684 = arith.index_cast %get3A_683 : i32 to index
        %get3A_685 = arith.index_cast %add3A_682 : i32 to index
        %get3A_686 = arith.constant 16 : index
        %get3A_687 = tpu.vector_load %arg6[%get3A_684, %get3A_685, %get3A_686] {strides = array<i32>} : memref<4x100x128xf32, #tpu.memory_space<vmem>>, vector<1x1x16xf32>,
        %get3A_688 = vector.shape_cast %get3A_687 : vector<1x1x16xf32> to vector<16xf32>
        %add3A_689 = arith.addf %scan3A_666, %get3A_688 : vector<16xf32>
        %add3A_690 = arith.constant 0 : i32
        %add3A_691 = arith.addi %add3A_690, %scan3A_664 : i32
        %get3A_692 = arith.constant 3 : i32
        %get3A_693 = arith.index_cast %get3A_692 : i32 to index
        %get3A_694 = arith.index_cast %add3A_691 : i32 to index
        %get3A_695 = arith.constant 32 : index
        %get3A_696 = tpu.vector_load %arg6[%get3A_693, %get3A_694, %get3A_695] {strides = array<i32>} : memref<4x100x128xf32, #tpu.memory_space<vmem>>, vector<1x1x16xf32>,
        %get3A_697 = vector.shape_cast %get3A_696 : vector<1x1x16xf32> to vector<16xf32>
        %add3A_698 = arith.addf %scan3A_667, %get3A_697 : vector<16xf32>
        %add3A_699 = arith.constant 0 : i32
        %add3A_700 = arith.addi %add3A_699, %scan3A_664 : i32
        %get3A_701 = arith.constant 3 : i32
        %get3A_702 = arith.index_cast %get3A_701 : i32 to index
        %get3A_703 = arith.index_cast %add3A_700 : i32 to index
        %get3A_704 = arith.constant 48 : index
        %get3A_705 = tpu.vector_load %arg6[%get3A_702, %get3A_703, %get3A_704] {strides = array<i32>} : memref<4x100x128xf32, #tpu.memory_space<vmem>>, vector<1x1x16xf32>,
        %get3A_706 = vector.shape_cast %get3A_705 : vector<1x1x16xf32> to vector<16xf32>
        %add3A_707 = arith.addf %scan3A_668, %get3A_706 : vector<16xf32>
        %add3A_708 = arith.constant 0 : i32
        %add3A_709 = arith.addi %add3A_708, %scan3A_664 : i32
        %get3A_710 = arith.constant 3 : i32
        %get3A_711 = arith.index_cast %get3A_710 : i32 to index
        %get3A_712 = arith.index_cast %add3A_709 : i32 to index
        %get3A_713 = arith.constant 64 : index
        %get3A_714 = tpu.vector_load %arg6[%get3A_711, %get3A_712, %get3A_713] {strides = array<i32>} : memref<4x100x128xf32, #tpu.memory_space<vmem>>, vector<1x1x16xf32>,
        %get3A_715 = vector.shape_cast %get3A_714 : vector<1x1x16xf32> to vector<16xf32>
        %add3A_716 = arith.addf %scan3A_669, %get3A_715 : vector<16xf32>
        %add3A_717 = arith.constant 0 : i32
        %add3A_718 = arith.addi %add3A_717, %scan3A_664 : i32
        %get3A_719 = arith.constant 3 : i32
        %get3A_720 = arith.index_cast %get3A_719 : i32 to index
        %get3A_721 = arith.index_cast %add3A_718 : i32 to index
        %get3A_722 = arith.constant 80 : index
        %get3A_723 = tpu.vector_load %arg6[%get3A_720, %get3A_721, %get3A_722] {strides = array<i32>} : memref<4x100x128xf32, #tpu.memory_space<vmem>>, vector<1x1x16xf32>,
        %get3A_724 = vector.shape_cast %get3A_723 : vector<1x1x16xf32> to vector<16xf32>
        %add3A_725 = arith.addf %scan3A_670, %get3A_724 : vector<16xf32>
        %add3A_726 = arith.constant 0 : i32
        %add3A_727 = arith.addi %add3A_726, %scan3A_664 : i32
        %get3A_728 = arith.constant 3 : i32
        %get3A_729 = arith.index_cast %get3A_728 : i32 to index
        %get3A_730 = arith.index_cast %add3A_727 : i32 to index
        %get3A_731 = arith.constant 96 : index
        %get3A_732 = tpu.vector_load %arg6[%get3A_729, %get3A_730, %get3A_731] {strides = array<i32>} : memref<4x100x128xf32, #tpu.memory_space<vmem>>, vector<1x1x16xf32>,
        %get3A_733 = vector.shape_cast %get3A_732 : vector<1x1x16xf32> to vector<16xf32>
        %add3A_734 = arith.addf %scan3A_671, %get3A_733 : vector<16xf32>
        %add3A_735 = arith.constant 0 : i32
        %add3A_736 = arith.addi %add3A_735, %scan3A_664 : i32
        %get3A_737 = arith.constant 3 : i32
        %get3A_738 = arith.index_cast %get3A_737 : i32 to index
        %get3A_739 = arith.index_cast %add3A_736 : i32 to index
        %get3A_740 = arith.constant 112 : index
        %get3A_741 = tpu.vector_load %arg6[%get3A_738, %get3A_739, %get3A_740] {strides = array<i32>} : memref<4x100x128xf32, #tpu.memory_space<vmem>>, vector<1x1x16xf32>,
        %get3A_742 = vector.shape_cast %get3A_741 : vector<1x1x16xf32> to vector<16xf32>
        %add3A_743 = arith.addf %scan3A_672, %get3A_742 : vector<16xf32>
        scf.yield %add3A_680, %add3A_689, %add3A_698, %add3A_707, %add3A_716, %add3A_725, %add3A_734, %add3A_743 : vector<16xf32>, vector<16xf32>, vector<16xf32>, vector<16xf32>, vector<16xf32>, vector<16xf32>, vector<16xf32>, vector<16xf32>
      }
      %scan3A_552 = arith.constant 50 : i32
      %mul3A_553 = arith.constant 2 : i32
      %mul3A_554 = arith.muli %add3A_510, %mul3A_553 : i32
      %add3A_555 = arith.constant 0 : i32
      %add3A_556 = arith.addi %mul3A_554, %add3A_555 : i32
      %swap3A_557 = arith.index_cast %add3A_556 : i32 to index
      %swap3A_558 = arith.constant 0 : index
      %swap3A_559 = tpu.vector_load %arg7[%swap3A_557, %swap3A_558] {strides = array<i32>} : memref<128x128xf32, #tpu.memory_space<vmem>>, vector<1x16xf32>,
      %swap3A_560 = vector.shape_cast %swap3A_559 : vector<1x16xf32> to vector<16xf32>
      %swap3A_561 = vector.shape_cast %scan3A_551#0 : vector<16xf32> to vector<1x16xf32>
      tpu.vector_store %arg7[%swap3A_557, %swap3A_558], %swap3A_561 {strides = array<i32>} : memref<128x128xf32, #tpu.memory_space<vmem>>, vector<1x16xf32>,
      %swap3A_562 = arith.index_cast %add3A_556 : i32 to index
      %swap3A_563 = arith.constant 16 : index
      %swap3A_564 = tpu.vector_load %arg7[%swap3A_562, %swap3A_563] {strides = array<i32>} : memref<128x128xf32, #tpu.memory_space<vmem>>, vector<1x16xf32>,
      %swap3A_565 = vector.shape_cast %swap3A_564 : vector<1x16xf32> to vector<16xf32>
      %swap3A_566 = vector.shape_cast %scan3A_551#1 : vector<16xf32> to vector<1x16xf32>
      tpu.vector_store %arg7[%swap3A_562, %swap3A_563], %swap3A_566 {strides = array<i32>} : memref<128x128xf32, #tpu.memory_space<vmem>>, vector<1x16xf32>,
      %swap3A_567 = arith.index_cast %add3A_556 : i32 to index
      %swap3A_568 = arith.constant 32 : index
      %swap3A_569 = tpu.vector_load %arg7[%swap3A_567, %swap3A_568] {strides = array<i32>} : memref<128x128xf32, #tpu.memory_space<vmem>>, vector<1x16xf32>,
      %swap3A_570 = vector.shape_cast %swap3A_569 : vector<1x16xf32> to vector<16xf32>
      %swap3A_571 = vector.shape_cast %scan3A_551#2 : vector<16xf32> to vector<1x16xf32>
      tpu.vector_store %arg7[%swap3A_567, %swap3A_568], %swap3A_571 {strides = array<i32>} : memref<128x128xf32, #tpu.memory_space<vmem>>, vector<1x16xf32>,
      %swap3A_572 = arith.index_cast %add3A_556 : i32 to index
      %swap3A_573 = arith.constant 48 : index
      %swap3A_574 = tpu.vector_load %arg7[%swap3A_572, %swap3A_573] {strides = array<i32>} : memref<128x128xf32, #tpu.memory_space<vmem>>, vector<1x16xf32>,
      %swap3A_575 = vector.shape_cast %swap3A_574 : vector<1x16xf32> to vector<16xf32>
      %swap3A_576 = vector.shape_cast %scan3A_551#3 : vector<16xf32> to vector<1x16xf32>
      tpu.vector_store %arg7[%swap3A_572, %swap3A_573], %swap3A_576 {strides = array<i32>} : memref<128x128xf32, #tpu.memory_space<vmem>>, vector<1x16xf32>,
      %swap3A_577 = arith.index_cast %add3A_556 : i32 to index
      %swap3A_578 = arith.constant 64 : index
      %swap3A_579 = tpu.vector_load %arg7[%swap3A_577, %swap3A_578] {strides = array<i32>} : memref<128x128xf32, #tpu.memory_space<vmem>>, vector<1x16xf32>,
      %swap3A_580 = vector.shape_cast %swap3A_579 : vector<1x16xf32> to vector<16xf32>
      %swap3A_581 = vector.shape_cast %scan3A_551#4 : vector<16xf32> to vector<1x16xf32>
      tpu.vector_store %arg7[%swap3A_577, %swap3A_578], %swap3A_581 {strides = array<i32>} : memref<128x128xf32, #tpu.memory_space<vmem>>, vector<1x16xf32>,
      %swap3A_582 = arith.index_cast %add3A_556 : i32 to index
      %swap3A_583 = arith.constant 80 : index
      %swap3A_584 = tpu.vector_load %arg7[%swap3A_582, %swap3A_583] {strides = array<i32>} : memref<128x128xf32, #tpu.memory_space<vmem>>, vector<1x16xf32>,
      %swap3A_585 = vector.shape_cast %swap3A_584 : vector<1x16xf32> to vector<16xf32>
      %swap3A_586 = vector.shape_cast %scan3A_551#5 : vector<16xf32> to vector<1x16xf32>
      tpu.vector_store %arg7[%swap3A_582, %swap3A_583], %swap3A_586 {strides = array<i32>} : memref<128x128xf32, #tpu.memory_space<vmem>>, vector<1x16xf32>,
      %swap3A_587 = arith.index_cast %add3A_556 : i32 to index
      %swap3A_588 = arith.constant 96 : index
      %swap3A_589 = tpu.vector_load %arg7[%swap3A_587, %swap3A_588] {strides = array<i32>} : memref<128x128xf32, #tpu.memory_space<vmem>>, vector<1x16xf32>,
      %swap3A_590 = vector.shape_cast %swap3A_589 : vector<1x16xf32> to vector<16xf32>
      %swap3A_591 = vector.shape_cast %scan3A_551#6 : vector<16xf32> to vector<1x16xf32>
      tpu.vector_store %arg7[%swap3A_587, %swap3A_588], %swap3A_591 {strides = array<i32>} : memref<128x128xf32, #tpu.memory_space<vmem>>, vector<1x16xf32>,
      %swap3A_592 = arith.index_cast %add3A_556 : i32 to index
      %swap3A_593 = arith.constant 112 : index
      %swap3A_594 = tpu.vector_load %arg7[%swap3A_592, %swap3A_593] {strides = array<i32>} : memref<128x128xf32, #tpu.memory_space<vmem>>, vector<1x16xf32>,
      %swap3A_595 = vector.shape_cast %swap3A_594 : vector<1x16xf32> to vector<16xf32>
      %swap3A_596 = vector.shape_cast %scan3A_551#7 : vector<16xf32> to vector<1x16xf32>
      tpu.vector_store %arg7[%swap3A_592, %swap3A_593], %swap3A_596 {strides = array<i32>} : memref<128x128xf32, #tpu.memory_space<vmem>>, vector<1x16xf32>,
      %broadcast_in_dim3A_597 = arith.constant 0.000000e+00 : f32
      %broadcast_in_dim3A_598 = vector.broadcast %broadcast_in_dim3A_597 : f32 to vector<16xf32>
      %broadcast_in_dim3A_599 = arith.constant 0.000000e+00 : f32
      %broadcast_in_dim3A_600 = vector.broadcast %broadcast_in_dim3A_599 : f32 to vector<16xf32>
      %broadcast_in_dim3A_601 = arith.constant 0.000000e+00 : f32
      %broadcast_in_dim3A_602 = vector.broadcast %broadcast_in_dim3A_601 : f32 to vector<16xf32>
      %broadcast_in_dim3A_603 = arith.constant 0.000000e+00 : f32
      %broadcast_in_dim3A_604 = vector.broadcast %broadcast_in_dim3A_603 : f32 to vector<16xf32>
      %broadcast_in_dim3A_605 = arith.constant 0.000000e+00 : f32
      %broadcast_in_dim3A_606 = vector.broadcast %broadcast_in_dim3A_605 : f32 to vector<16xf32>
      %broadcast_in_dim3A_607 = arith.constant 0.000000e+00 : f32
      %broadcast_in_dim3A_608 = vector.broadcast %broadcast_in_dim3A_607 : f32 to vector<16xf32>
      %broadcast_in_dim3A_609 = arith.constant 0.000000e+00 : f32
      %broadcast_in_dim3A_610 = vector.broadcast %broadcast_in_dim3A_609 : f32 to vector<16xf32>
      %broadcast_in_dim3A_611 = arith.constant 0.000000e+00 : f32
      %broadcast_in_dim3A_612 = vector.broadcast %broadcast_in_dim3A_611 : f32 to vector<16xf32>
      %scan3A_613 = arith.constant 0 : i32
      %scan3A_614 = arith.constant 50 : i32
      %scan3A_615 = arith.addi %scan3A_613, %scan3A_614 : i32
      %scan3A_616 = arith.constant 1 : i32
      %scan3A_617:8 = scf.for %scan3A_664 = %scan3A_613 to %scan3A_615 step %scan3A_616 iter_args(%scan3A_665 = %broadcast_in_dim3A_598, %scan3A_666 = %broadcast_in_dim3A_600, %scan3A_667 = %broadcast_in_dim3A_602, %scan3A_668 = %broadcast_in_dim3A_604, %scan3A_669 = %broadcast_in_dim3A_606, %scan3A_670 = %broadcast_in_dim3A_608, %scan3A_671 = %broadcast_in_dim3A_610, %scan3A_672 = %broadcast_in_dim3A_612) -> (vector<16xf32>, vector<16xf32>, vector<16xf32>, vector<16xf32>, vector<16xf32>, vector<16xf32>, vector<16xf32>, vector<16xf32>)  : i32 {
        %add3A_673 = arith.constant 50 : i32
        %add3A_674 = arith.addi %add3A_673, %scan3A_664 : i32
        %get3A = arith.constant 3 : i32
        %get3A_675 = arith.index_cast %get3A : i32 to index
        %get3A_676 = arith.index_cast %add3A_674 : i32 to index
        %get3A_677 = arith.constant 0 : index
        %get3A_678 = tpu.vector_load %arg6[%get3A_675, %get3A_676, %get3A_677] {strides = array<i32>} : memref<4x100x128xf32, #tpu.memory_space<vmem>>, vector<1x1x16xf32>,
        %get3A_679 = vector.shape_cast %get3A_678 : vector<1x1x16xf32> to vector<16xf32>
        %add3A_680 = arith.addf %scan3A_665, %get3A_679 : vector<16xf32>
        %add3A_681 = arith.constant 50 : i32
        %add3A_682 = arith.addi %add3A_681, %scan3A_664 : i32
        %get3A_683 = arith.constant 3 : i32
        %get3A_684 = arith.index_cast %get3A_683 : i32 to index
        %get3A_685 = arith.index_cast %add3A_682 : i32 to index
        %get3A_686 = arith.constant 16 : index
        %get3A_687 = tpu.vector_load %arg6[%get3A_684, %get3A_685, %get3A_686] {strides = array<i32>} : memref<4x100x128xf32, #tpu.memory_space<vmem>>, vector<1x1x16xf32>,
        %get3A_688 = vector.shape_cast %get3A_687 : vector<1x1x16xf32> to vector<16xf32>
        %add3A_689 = arith.addf %scan3A_666, %get3A_688 : vector<16xf32>
        %add3A_690 = arith.constant 50 : i32
        %add3A_691 = arith.addi %add3A_690, %scan3A_664 : i32
        %get3A_692 = arith.constant 3 : i32
        %get3A_693 = arith.index_cast %get3A_692 : i32 to index
        %get3A_694 = arith.index_cast %add3A_691 : i32 to index
        %get3A_695 = arith.constant 32 : index
        %get3A_696 = tpu.vector_load %arg6[%get3A_693, %get3A_694, %get3A_695] {strides = array<i32>} : memref<4x100x128xf32, #tpu.memory_space<vmem>>, vector<1x1x16xf32>,
        %get3A_697 = vector.shape_cast %get3A_696 : vector<1x1x16xf32> to vector<16xf32>
        %add3A_698 = arith.addf %scan3A_667, %get3A_697 : vector<16xf32>
        %add3A_699 = arith.constant 50 : i32
        %add3A_700 = arith.addi %add3A_699, %scan3A_664 : i32
        %get3A_701 = arith.constant 3 : i32
        %get3A_702 = arith.index_cast %get3A_701 : i32 to index
        %get3A_703 = arith.index_cast %add3A_700 : i32 to index
        %get3A_704 = arith.constant 48 : index
        %get3A_705 = tpu.vector_load %arg6[%get3A_702, %get3A_703, %get3A_704] {strides = array<i32>} : memref<4x100x128xf32, #tpu.memory_space<vmem>>, vector<1x1x16xf32>,
        %get3A_706 = vector.shape_cast %get3A_705 : vector<1x1x16xf32> to vector<16xf32>
        %add3A_707 = arith.addf %scan3A_668, %get3A_706 : vector<16xf32>
        %add3A_708 = arith.constant 50 : i32
        %add3A_709 = arith.addi %add3A_708, %scan3A_664 : i32
        %get3A_710 = arith.constant 3 : i32
        %get3A_711 = arith.index_cast %get3A_710 : i32 to index
        %get3A_712 = arith.index_cast %add3A_709 : i32 to index
        %get3A_713 = arith.constant 64 : index
        %get3A_714 = tpu.vector_load %arg6[%get3A_711, %get3A_712, %get3A_713] {strides = array<i32>} : memref<4x100x128xf32, #tpu.memory_space<vmem>>, vector<1x1x16xf32>,
        %get3A_715 = vector.shape_cast %get3A_714 : vector<1x1x16xf32> to vector<16xf32>
        %add3A_716 = arith.addf %scan3A_669, %get3A_715 : vector<16xf32>
        %add3A_717 = arith.constant 50 : i32
        %add3A_718 = arith.addi %add3A_717, %scan3A_664 : i32
        %get3A_719 = arith.constant 3 : i32
        %get3A_720 = arith.index_cast %get3A_719 : i32 to index
        %get3A_721 = arith.index_cast %add3A_718 : i32 to index
        %get3A_722 = arith.constant 80 : index
        %get3A_723 = tpu.vector_load %arg6[%get3A_720, %get3A_721, %get3A_722] {strides = array<i32>} : memref<4x100x128xf32, #tpu.memory_space<vmem>>, vector<1x1x16xf32>,
        %get3A_724 = vector.shape_cast %get3A_723 : vector<1x1x16xf32> to vector<16xf32>
        %add3A_725 = arith.addf %scan3A_670, %get3A_724 : vector<16xf32>
        %add3A_726 = arith.constant 50 : i32
        %add3A_727 = arith.addi %add3A_726, %scan3A_664 : i32
        %get3A_728 = arith.constant 3 : i32
        %get3A_729 = arith.index_cast %get3A_728 : i32 to index
        %get3A_730 = arith.index_cast %add3A_727 : i32 to index
        %get3A_731 = arith.constant 96 : index
        %get3A_732 = tpu.vector_load %arg6[%get3A_729, %get3A_730, %get3A_731] {strides = array<i32>} : memref<4x100x128xf32, #tpu.memory_space<vmem>>, vector<1x1x16xf32>,
        %get3A_733 = vector.shape_cast %get3A_732 : vector<1x1x16xf32> to vector<16xf32>
        %add3A_734 = arith.addf %scan3A_671, %get3A_733 : vector<16xf32>
        %add3A_735 = arith.constant 50 : i32
        %add3A_736 = arith.addi %add3A_735, %scan3A_664 : i32
        %get3A_737 = arith.constant 3 : i32
        %get3A_738 = arith.index_cast %get3A_737 : i32 to index
        %get3A_739 = arith.index_cast %add3A_736 : i32 to index
        %get3A_740 = arith.constant 112 : index
        %get3A_741 = tpu.vector_load %arg6[%get3A_738, %get3A_739, %get3A_740] {strides = array<i32>} : memref<4x100x128xf32, #tpu.memory_space<vmem>>, vector<1x1x16xf32>,
        %get3A_742 = vector.shape_cast %get3A_741 : vector<1x1x16xf32> to vector<16xf32>
        %add3A_743 = arith.addf %scan3A_672, %get3A_742 : vector<16xf32>
        scf.yield %add3A_680, %add3A_689, %add3A_698, %add3A_707, %add3A_716, %add3A_725, %add3A_734, %add3A_743 : vector<16xf32>, vector<16xf32>, vector<16xf32>, vector<16xf32>, vector<16xf32>, vector<16xf32>, vector<16xf32>, vector<16xf32>
      }
      %scan3A_618 = arith.constant 50 : i32
      %mul3A_619 = arith.constant 2 : i32
      %mul3A_620 = arith.muli %add3A_510, %mul3A_619 : i32
      %add3A_621 = arith.constant 1 : i32
      %add3A_622 = arith.addi %mul3A_620, %add3A_621 : i32
      %swap3A_623 = arith.index_cast %add3A_622 : i32 to index
      %swap3A_624 = arith.constant 0 : index
      %swap3A_625 = tpu.vector_load %arg7[%swap3A_623, %swap3A_624] {strides = array<i32>} : memref<128x128xf32, #tpu.memory_space<vmem>>, vector<1x16xf32>,
      %swap3A_626 = vector.shape_cast %swap3A_625 : vector<1x16xf32> to vector<16xf32>
      %swap3A_627 = vector.shape_cast %scan3A_617#0 : vector<16xf32> to vector<1x16xf32>
      tpu.vector_store %arg7[%swap3A_623, %swap3A_624], %swap3A_627 {strides = array<i32>} : memref<128x128xf32, #tpu.memory_space<vmem>>, vector<1x16xf32>,
      %swap3A_628 = arith.index_cast %add3A_622 : i32 to index
      %swap3A_629 = arith.constant 16 : index
      %swap3A_630 = tpu.vector_load %arg7[%swap3A_628, %swap3A_629] {strides = array<i32>} : memref<128x128xf32, #tpu.memory_space<vmem>>, vector<1x16xf32>,
      %swap3A_631 = vector.shape_cast %swap3A_630 : vector<1x16xf32> to vector<16xf32>
      %swap3A_632 = vector.shape_cast %scan3A_617#1 : vector<16xf32> to vector<1x16xf32>
      tpu.vector_store %arg7[%swap3A_628, %swap3A_629], %swap3A_632 {strides = array<i32>} : memref<128x128xf32, #tpu.memory_space<vmem>>, vector<1x16xf32>,
      %swap3A_633 = arith.index_cast %add3A_622 : i32 to index
      %swap3A_634 = arith.constant 32 : index
      %swap3A_635 = tpu.vector_load %arg7[%swap3A_633, %swap3A_634] {strides = array<i32>} : memref<128x128xf32, #tpu.memory_space<vmem>>, vector<1x16xf32>,
      %swap3A_636 = vector.shape_cast %swap3A_635 : vector<1x16xf32> to vector<16xf32>
      %swap3A_637 = vector.shape_cast %scan3A_617#2 : vector<16xf32> to vector<1x16xf32>
      tpu.vector_store %arg7[%swap3A_633, %swap3A_634], %swap3A_637 {strides = array<i32>} : memref<128x128xf32, #tpu.memory_space<vmem>>, vector<1x16xf32>,
      %swap3A_638 = arith.index_cast %add3A_622 : i32 to index
      %swap3A_639 = arith.constant 48 : index
      %swap3A_640 = tpu.vector_load %arg7[%swap3A_638, %swap3A_639] {strides = array<i32>} : memref<128x128xf32, #tpu.memory_space<vmem>>, vector<1x16xf32>,
      %swap3A_641 = vector.shape_cast %swap3A_640 : vector<1x16xf32> to vector<16xf32>
      %swap3A_642 = vector.shape_cast %scan3A_617#3 : vector<16xf32> to vector<1x16xf32>
      tpu.vector_store %arg7[%swap3A_638, %swap3A_639], %swap3A_642 {strides = array<i32>} : memref<128x128xf32, #tpu.memory_space<vmem>>, vector<1x16xf32>,
      %swap3A_643 = arith.index_cast %add3A_622 : i32 to index
      %swap3A_644 = arith.constant 64 : index
      %swap3A_645 = tpu.vector_load %arg7[%swap3A_643, %swap3A_644] {strides = array<i32>} : memref<128x128xf32, #tpu.memory_space<vmem>>, vector<1x16xf32>,
      %swap3A_646 = vector.shape_cast %swap3A_645 : vector<1x16xf32> to vector<16xf32>
      %swap3A_647 = vector.shape_cast %scan3A_617#4 : vector<16xf32> to vector<1x16xf32>
      tpu.vector_store %arg7[%swap3A_643, %swap3A_644], %swap3A_647 {strides = array<i32>} : memref<128x128xf32, #tpu.memory_space<vmem>>, vector<1x16xf32>,
      %swap3A_648 = arith.index_cast %add3A_622 : i32 to index
      %swap3A_649 = arith.constant 80 : index
      %swap3A_650 = tpu.vector_load %arg7[%swap3A_648, %swap3A_649] {strides = array<i32>} : memref<128x128xf32, #tpu.memory_space<vmem>>, vector<1x16xf32>,
      %swap3A_651 = vector.shape_cast %swap3A_650 : vector<1x16xf32> to vector<16xf32>
      %swap3A_652 = vector.shape_cast %scan3A_617#5 : vector<16xf32> to vector<1x16xf32>
      tpu.vector_store %arg7[%swap3A_648, %swap3A_649], %swap3A_652 {strides = array<i32>} : memref<128x128xf32, #tpu.memory_space<vmem>>, vector<1x16xf32>,
      %swap3A_653 = arith.index_cast %add3A_622 : i32 to index
      %swap3A_654 = arith.constant 96 : index
      %swap3A_655 = tpu.vector_load %arg7[%swap3A_653, %swap3A_654] {strides = array<i32>} : memref<128x128xf32, #tpu.memory_space<vmem>>, vector<1x16xf32>,
      %swap3A_656 = vector.shape_cast %swap3A_655 : vector<1x16xf32> to vector<16xf32>
      %swap3A_657 = vector.shape_cast %scan3A_617#6 : vector<16xf32> to vector<1x16xf32>
      tpu.vector_store %arg7[%swap3A_653, %swap3A_654], %swap3A_657 {strides = array<i32>} : memref<128x128xf32, #tpu.memory_space<vmem>>, vector<1x16xf32>,
      %swap3A_658 = arith.index_cast %add3A_622 : i32 to index
      %swap3A_659 = arith.constant 112 : index
      %swap3A_660 = tpu.vector_load %arg7[%swap3A_658, %swap3A_659] {strides = array<i32>} : memref<128x128xf32, #tpu.memory_space<vmem>>, vector<1x16xf32>,
      %swap3A_661 = vector.shape_cast %swap3A_660 : vector<1x16xf32> to vector<16xf32>
      %swap3A_662 = vector.shape_cast %scan3A_617#7 : vector<16xf32> to vector<1x16xf32>
      tpu.vector_store %arg7[%swap3A_658, %swap3A_659], %swap3A_662 {strides = array<i32>} : memref<128x128xf32, #tpu.memory_space<vmem>>, vector<1x16xf32>,
      %scan3A_663 = arith.constant 0 : i32
      scf.yield %scan3A_663 : i32
    }
    %scan3A_41 = arith.constant 16 : i32
    %mul3A_42 = arith.constant 128 : i32
    %mul3A_43 = arith.muli %add3A, %mul3A_42 : i32
    "tpu.region"() ({
      %run_scoped3A = tpu.sem_alloc : memref<!tpu.dma_semaphore, #tpu.memory_space<semaphore_mem>>
      %dma_start3A_44 = arith.constant 0 : i32
      %dma_start3A_45 = tpu.memref_slice %arg4[%mul3A_43, %dma_start3A_44] : memref<4096x128xf32, #tpu.memory_space<hbm>> -> memref<128x128xf32, #tpu.memory_space<hbm>>
      %dma_start3A_46 = arith.constant 0 : i32
      %dma_start3A_47 = tpu.memref_slice %arg4[%mul3A_43, %dma_start3A_46] : memref<4096x128xf32, #tpu.memory_space<hbm>> -> memref<128x128xf32, #tpu.memory_space<hbm>>
      tpu.enqueue_dma source(%arg7 : memref<128x128xf32, #tpu.memory_space<vmem>>) target(%dma_start3A_47 : memref<128x128xf32, #tpu.memory_space<hbm>>) target_semaphore(%run_scoped3A : memref<!tpu.dma_semaphore, #tpu.memory_space<semaphore_mem>>)
      %dma_wait3A = arith.constant 0 : i32
      %dma_wait3A_48 = tpu.memref_slice %arg4[%mul3A_43, %dma_wait3A] : memref<4096x128xf32, #tpu.memory_space<hbm>> -> memref<128x128xf32, #tpu.memory_space<hbm>>
      %dma_wait3A_49 = arith.constant 0 : i32
      %dma_wait3A_50 = tpu.memref_slice %arg4[%mul3A_43, %dma_wait3A_49] : memref<4096x128xf32, #tpu.memory_space<hbm>> -> memref<128x128xf32, #tpu.memory_space<hbm>>
      tpu.wait_dma2 semaphore(%run_scoped3A : memref<!tpu.dma_semaphore, #tpu.memory_space<semaphore_mem>>) src(%arg7 : memref<128x128xf32, #tpu.memory_space<vmem>>) dst(%dma_wait3A_50 : memref<128x128xf32, #tpu.memory_space<hbm>>)
      tpu.yield
    }) : () -> ()
    return
  }
}

module attributes {stable_mosaic.version = 14 : i64} {
  func.func @_mlp_body(%arg0: i32, %arg1: memref<2048x50xi32, #tpu.memory_space<vmem>>, %arg2: memref<2048x128xf32, #tpu.memory_space<vmem>>, %arg3: memref<300x128xf32, #tpu.memory_space<vmem>>, %arg4: memref<300x1xf32, #tpu.memory_space<vmem>>, %arg5: memref<1000x300xf32, #tpu.memory_space<vmem>>, %arg6: memref<1000x1xf32, #tpu.memory_space<vmem>>, %arg7: memref<1000x2048xf32, #tpu.memory_space<vmem>>) attributes {dimension_semantics = [#tpu.dimension_semantics<arbitrary>], iteration_bounds = array<i64: 2>, scalar_prefetch = 0 : i64, scratch_operands = 0 : i64, tpu.core_type = #tpu.core_type<tc>, window_params = [{transform_indices = @transform_0, window_bounds = array<i64: 2048, 50>}, {transform_indices = @transform_1, window_bounds = array<i64: 2048, 128>}, {pipeline_mode = #tpu.pipeline_mode<synchronous>, transform_indices = @transform_2, window_bounds = array<i64: 300, 128>}, {pipeline_mode = #tpu.pipeline_mode<synchronous>, transform_indices = @transform_3, window_bounds = array<i64: 300, 1>}, {pipeline_mode = #tpu.pipeline_mode<synchronous>, transform_indices = @transform_4, window_bounds = array<i64: 1000, 300>}, {pipeline_mode = #tpu.pipeline_mode<synchronous>, transform_indices = @transform_5, window_bounds = array<i64: 1000, 1>}, {transform_indices = @transform_6, window_bounds = array<i64: 1000, 2048>}]} {
    %get3A = arith.constant 0 : index
    %get3A_0 = arith.constant 0 : index
    %get3A_1 = vector.load %arg1[%get3A, %get3A_0] : memref<2048x50xi32, #tpu.memory_space<vmem>>, vector<2048x50xi32>
    %ne3A = arith.constant 0 : i32
    %ne3A_2 = vector.broadcast %ne3A : i32 to vector<2048x50xi32>
    %ne3A_3 = arith.cmpi ne, %get3A_1, %ne3A_2 : vector<2048x50xi32>
    %convert_element_type3A = arith.extui %ne3A_3 : vector<2048x50xi1> to vector<2048x50xi32>
    %convert_element_type3A_4 = arith.sitofp %convert_element_type3A : vector<2048x50xi32> to vector<2048x50xf32>
    %reduce_sum3A = arith.constant dense<0.000000e+00> : vector<2048xf32>
    %reduce_sum3A_5 = vector.multi_reduction <add>, %convert_element_type3A_4, %reduce_sum3A [1] : vector<2048x50xf32> to vector<2048xf32>
    %broadcast_in_dim3A = vector.shape_cast %reduce_sum3A_5 : vector<2048xf32> to vector<2048x1xf32>
    %get3A_6 = arith.constant 0 : index
    %get3A_7 = arith.constant 0 : index
    %get3A_8 = vector.load %arg2[%get3A_6, %get3A_7] : memref<2048x128xf32, #tpu.memory_space<vmem>>, vector<2048x128xf32>
    %max3A = arith.constant 1.000000e+00 : f32
    %max3A_9 = vector.broadcast %max3A : f32 to vector<2048x1xf32>
    %max3A_10 = arith.maximumf %broadcast_in_dim3A, %max3A_9 : vector<2048x1xf32>
    %div3A = vector.broadcast %max3A_10 : vector<2048x1xf32> to vector<2048x128xf32>
    %div3A_11 = arith.divf %get3A_8, %div3A : vector<2048x128xf32>
    %get3A_12 = arith.constant 0 : index
    %get3A_13 = arith.constant 0 : index
    %get3A_14 = vector.load %arg3[%get3A_12, %get3A_13] : memref<300x128xf32, #tpu.memory_space<vmem>>, vector<300x128xf32>
    %dot_general3A = arith.constant dense<0.000000e+00> : vector<300x2048xf32>
    %dot_general3A_15 = tpu.matmul %get3A_14, %div3A_11, %dot_general3A {dimension_numbers = #tpu.dot_dimension_numbers<[1], [1], [0], [0], [0, 0, 1, 0], [], []>, transpose_lhs_hint = false} : vector<300x128xf32>, vector<2048x128xf32>, vector<300x2048xf32> -> vector<300x2048xf32>
    %get3A_16 = arith.constant 0 : index
    %get3A_17 = arith.constant 0 : index
    %get3A_18 = vector.load %arg4[%get3A_16, %get3A_17] : memref<300x1xf32, #tpu.memory_space<vmem>>, vector<300x1xf32>
    %add3A = vector.broadcast %get3A_18 : vector<300x1xf32> to vector<300x2048xf32>
    %add3A_19 = arith.addf %dot_general3A_15, %add3A : vector<300x2048xf32>
    %max3A_20 = arith.constant 0.000000e+00 : f32
    %max3A_21 = vector.broadcast %max3A_20 : f32 to vector<300x2048xf32>
    %max3A_22 = arith.maximumf %add3A_19, %max3A_21 : vector<300x2048xf32>
    %get3A_23 = arith.constant 0 : index
    %get3A_24 = arith.constant 0 : index
    %get3A_25 = vector.load %arg5[%get3A_23, %get3A_24] : memref<1000x300xf32, #tpu.memory_space<vmem>>, vector<1000x300xf32>
    %dot_general3A_26 = arith.constant dense<0.000000e+00> : vector<1000x2048xf32>
    %dot_general3A_27 = tpu.matmul %get3A_25, %max3A_22, %dot_general3A_26 {dimension_numbers = #tpu.dot_dimension_numbers<[1], [0], [0], [1], [0, 0, 1, 1], [], []>, transpose_lhs_hint = false} : vector<1000x300xf32>, vector<300x2048xf32>, vector<1000x2048xf32> -> vector<1000x2048xf32>
    %get3A_28 = arith.constant 0 : index
    %get3A_29 = arith.constant 0 : index
    %get3A_30 = vector.load %arg6[%get3A_28, %get3A_29] : memref<1000x1xf32, #tpu.memory_space<vmem>>, vector<1000x1xf32>
    %add3A_31 = vector.broadcast %get3A_30 : vector<1000x1xf32> to vector<1000x2048xf32>
    %add3A_32 = arith.addf %dot_general3A_27, %add3A_31 : vector<1000x2048xf32>
    %swap3A = arith.constant 0 : index
    %swap3A_33 = arith.constant 0 : index
    %swap3A_34 = vector.load %arg7[%swap3A, %swap3A_33] : memref<1000x2048xf32, #tpu.memory_space<vmem>>, vector<1000x2048xf32>
    tpu.vector_store %arg7[%swap3A, %swap3A_33], %add3A_32 {strides = array<i32>} : memref<1000x2048xf32, #tpu.memory_space<vmem>>, vector<1000x2048xf32>,
    return
  }
  func.func @transform_0(%arg0: i32) -> (i32, i32) {
    %c0_i32 = arith.constant 0 : i32
    %c0_i32_0 = arith.constant 0 : i32
    return %arg0, %c0_i32 : i32, i32
  }
  func.func @transform_1(%arg0: i32) -> (i32, i32) {
    %c0_i32 = arith.constant 0 : i32
    %c0_i32_0 = arith.constant 0 : i32
    return %arg0, %c0_i32 : i32, i32
  }
  func.func @transform_2(%arg0: i32) -> (i32, i32) {
    %c0_i32 = arith.constant 0 : i32
    %c0_i32_0 = arith.constant 0 : i32
    %c0_i32_1 = arith.constant 0 : i32
    return %c0_i32, %c0_i32_0 : i32, i32
  }
  func.func @transform_3(%arg0: i32) -> (i32, i32) {
    %c0_i32 = arith.constant 0 : i32
    %c0_i32_0 = arith.constant 0 : i32
    %c0_i32_1 = arith.constant 0 : i32
    return %c0_i32, %c0_i32_0 : i32, i32
  }
  func.func @transform_4(%arg0: i32) -> (i32, i32) {
    %c0_i32 = arith.constant 0 : i32
    %c0_i32_0 = arith.constant 0 : i32
    %c0_i32_1 = arith.constant 0 : i32
    return %c0_i32, %c0_i32_0 : i32, i32
  }
  func.func @transform_5(%arg0: i32) -> (i32, i32) {
    %c0_i32 = arith.constant 0 : i32
    %c0_i32_0 = arith.constant 0 : i32
    %c0_i32_1 = arith.constant 0 : i32
    return %c0_i32, %c0_i32_0 : i32, i32
  }
  func.func @transform_6(%arg0: i32) -> (i32, i32) {
    %c0_i32 = arith.constant 0 : i32
    %c0_i32_0 = arith.constant 0 : i32
    return %c0_i32, %arg0 : i32, i32
  }
}

</mosaic_0001>

<sc_bundles>
// kernel: _run.4.cloned.1.call-start
scs
__scs_entry_jumppad:
0x0: {  	(pc) =	sbr.rel $0x88, $3  }
0x1: {  	(tag) =	ssettag $0x0;
	lr =	simm.s32 $0x1  }
0x2: {  	[smem:$0x3F9B] =	sst lr;
	_ =	strace $0xD0000000  }
0x3: {  	_ = 	snop  }
0x4: {  	_ = 	snop  }
0x5: {  	_ = 	snop  }
0x6: {  	_ = 	snop  }
0x7: {  	_ = 	snop  }
__scs_overlays_trampoline_lowered:
0x8: {  	[smem:$0x3FAA] =	sst s0  }
0x9: {  	[smem:$0x3FAB] =	sst s1  }
0xa: {  	[smem:$0x3FAC] =	sst s2  }
0xb: {  	[smem:$0x3FAD] =	sst s3  }
0xc: {  	[smem:$0x3FAE] =	sst s4  }
0xd: {  	[smem:$0x3FAF] =	sst s5  }
0xe: {  	[smem:$0x3FB0] =	sst s6  }
0xf: {  	[smem:$0x3FB1] =	sst s7  }
0x10: {  	[smem:$0x3FB2] =	sst s8  }
0x11: {  	[smem:$0x3FB3] =	sst s9;
	s0 =	simm.s32 @!p0 $0x0  }
0x12: {  	s1 =	sld [smem:$0x3F99];
	s0 =	simm.s32 @p0 $0x1  }
0x13: {  	[smem:$0x3FB4] =	sst s0;
	s0 =	simm.s32 @!p1 $0x0  }
0x14: {  	s2 =	sld [smem:$0x3F98];
	s0 =	simm.s32 @p1 $0x1  }
0x15: {  	[smem:$0x3FB5] =	sst s0;
	s0 =	simm.s32 @!p2 $0x0  }
0x16: {  	s3 =	sld [smem:$0x3FDB];
	s0 =	simm.s32 @p2 $0x1  }
0x17: {  	s4 =	simm.s32 $0x1BF5;
	[smem:$0x3FB7] =	sst s0  }
0x18: {  	s0 =	sld [smem:$0x3F9A];
	_ =	swait.ge [sflag:s4], $0x0  }
0x19: {  	s7 =	sld [smem:$0x3F9B]  }
0x1a: {  	s8 =	sadd.s32 $0xFFFFE003, lr  }
0x1b: {  	s9 =	sadd.s32 $0xFFFFFEF7, lr;
	s5 =	simm.s32 $0xFFFFFFFF;
	p2 =	slt.u32 s8, $0xFFFFF086  }
0x1c: {  	p1 =	slt.u32 s9, $0xF7A;
	s5 =	simm.s32 @!p2 $0x0  }
0x1d: {  	s5 =	simm.s32 @p1 $0x1;
	p0 =	seq.s32 s7, s2  }
0x1e: {  	s7 =	smul.u32 @!p0 $0xF7A, s2;
	p2 =	seq.s32 @!p0 s5, $0x0  }
0x1f: {  	s9 =	smul.u32 $0xF7A, s1;
	s8 =	simm.s32 @!p0 $0x1BF5;
	p2 =	por !p2, p0  }
0x20: {  	[sflag:s8] =	ssyncset.s32 @!p0 $0xFFFFF086;
	s6 =	sadd.s32 @!p0 s3, s7;
	s7 =	simm.s32 @!p0 $0x108  }
0x21: {  	s3 =	sadd.s32 s3, s9;
	s6 =	sadd.s32 @!p0 $0x88, s6;
	s7 =	simm.s32 @p2 $0x1082  }
0x22: {  	[simem:s7], [sflag:s8] =	dma.local @!p0 [hbm:s6], $0xF7A  }
0x23: {  	s9 =	sor.u32 $0xD0000000, s2;
	s6 =	simm.s32 $0x108;
	_ =	swait.ge @!p0 [sflag:s8], $0x0  }
0x24: {  	s3 =	sadd.s32 $0x88, s3;
	s6 =	simm.s32 @!p1 $0x1082;
	[sflag:s4] =	ssyncset.s32 $0xFFFFF086  }
0x25: {  	[simem:s6], [sflag:s4] =	dma.local [hbm:s3], $0xF7A  }
0x26: {  	[smem:$0x3F9B] =	sst s1;
	(tag) =	ssettag s2;
	_ =	strace s9  }
0x27: {  	s1 =	sld [smem:$0x3FAB]  }
0x28: {  	s2 =	sld [smem:$0x3FAC]  }
0x29: {  	s4 =	sld [smem:$0x3FAE]  }
0x2a: {  	p0 =	seq.s32 s5, $0x0;
	s5 =	sld [smem:$0x3FAF]  }
0x2b: {  	s6 =	sld [smem:$0x3FB0]  }
0x2c: {  	s7 =	sld [smem:$0x3FB1]  }
0x2d: {  	s3 =	simm.s32 $0x108;
	s8 =	sld [smem:$0x3FB2]  }
0x2e: {  	s3 =	simm.s32 @!p0 $0x1082;
	s9 =	sld [smem:$0x3FB3]  }
0x2f: {  	lr =	sadd.s32 s0, s3;
	s0 =	sld [smem:$0x3FAA]  }
0x30: {  	s3 =	sld [smem:$0x3FAD]  }
0x31: {  	[smem:$0x3FB6] =	sst s10  }
0x32: {  	s10 =	sld [smem:$0x3FB4];
	_ =	sdelay $0x3  }
0x33: {  	p0 =	seq.s32 s10, $0x1;
	s10 =	sld [smem:$0x3FB6];
	_ =	sdelay $0x3  }
0x34: {  	[smem:$0x3FB6] =	sst s10  }
0x35: {  	s10 =	sld [smem:$0x3FB5];
	_ =	sdelay $0x3  }
0x36: {  	p1 =	seq.s32 s10, $0x1;
	s10 =	sld [smem:$0x3FB6];
	_ =	sdelay $0x3  }
0x37: {  	[smem:$0x3FB6] =	sst s10  }
0x38: {  	s10 =	sld [smem:$0x3FB7]  }
0x39: {  	_ = 	snop;
	(pc) =	sbr.ind lr, $3  }
0x3a: {  	_ = 	snop  }
0x3b: {  	_ = 	snop  }
0x3c: {  	p2 =	seq.s32 s10, $0x1;
	s10 =	sld [smem:$0x3FB6]  }
0x3d: {  	_ =	shalt  }
0x3e: {  	_ =	shalt  }
0x3f: {  	_ =	shalt  }
0x40: {  	_ =	shalt  }
0x41: {  	_ =	shalt  }
0x42: {  	_ =	shalt  }
0x43: {  	_ =	shalt  }
0x44: {  	_ =	shalt  }
0x45: {  	_ =	shalt  }
0x46: {  	_ =	shalt  }
0x47: {  	_ =	shalt  }
0x48: {  	_ =	shalt  }
0x49: {  	_ =	shalt  }
0x4a: {  	_ =	shalt  }
0x4b: {  	_ =	shalt  }
0x4c: {  	_ =	shalt  }
0x4d: {  	_ =	shalt  }
0x4e: {  	_ =	shalt  }
0x4f: {  	_ =	shalt  }
0x50: {  	_ =	shalt  }
0x51: {  	_ =	shalt  }
0x52: {  	_ =	shalt  }
0x53: {  	_ =	shalt  }
0x54: {  	_ =	shalt  }
0x55: {  	_ =	shalt  }
0x56: {  	_ =	shalt  }
0x57: {  	_ =	shalt  }
0x58: {  	_ =	shalt  }
0x59: {  	_ =	shalt  }
0x5a: {  	_ =	shalt  }
0x5b: {  	_ =	shalt  }
0x5c: {  	_ =	shalt  }
0x5d: {  	_ =	shalt  }
0x5e: {  	_ =	shalt  }
0x5f: {  	_ =	shalt  }
0x60: {  	_ =	shalt  }
0x61: {  	_ =	shalt  }
0x62: {  	_ =	shalt  }
0x63: {  	_ =	shalt  }
0x64: {  	_ =	shalt  }
0x65: {  	_ =	shalt  }
0x66: {  	_ =	shalt  }
0x67: {  	_ =	shalt  }
0x68: {  	_ =	shalt  }
0x69: {  	_ =	shalt  }
0x6a: {  	_ =	shalt  }
0x6b: {  	_ =	shalt  }
0x6c: {  	_ =	shalt  }
0x6d: {  	_ =	shalt  }
0x6e: {  	_ =	shalt  }
0x6f: {  	_ =	shalt  }
0x70: {  	_ =	shalt  }
0x71: {  	_ =	shalt  }
0x72: {  	_ =	shalt  }
0x73: {  	_ =	shalt  }
0x74: {  	_ =	shalt  }
0x75: {  	_ =	shalt  }
0x76: {  	_ =	shalt  }
0x77: {  	_ =	shalt  }
0x78: {  	_ =	shalt  }
0x79: {  	_ =	shalt  }
0x7a: {  	_ =	shalt  }
0x7b: {  	_ =	shalt  }
0x7c: {  	_ =	shalt  }
0x7d: {  	_ =	shalt  }
0x7e: {  	_ =	shalt  }
0x7f: {  	_ =	shalt  }
0x80: {  	_ =	shalt  }
0x81: {  	_ =	shalt  }
0x82: {  	_ =	shalt  }
0x83: {  	_ =	shalt  }
0x84: {  	_ =	shalt  }
0x85: {  	_ =	shalt  }
0x86: {  	_ =	shalt  }
0x87: {  	_ =	shalt  }
.Lfunc_end0:
.L_simem_size_0:
called_computation_lowered:
.L_overlay_start_0:
0x88: {  	s2 =	sld [smem:$0x3FD9]  }
0x89: {  	s3 =	sld [smem:$0x3FFE];
	_ =	sdelay $0x1  }
0x8a: {  	s1 =	srdreg.scid  }
0x8b: {  	s0 =	sand.u32 $0x1, s1  }
0x8c: {  	s17 =	sshll.u32 s0, $0xA;
	s2 =	sadd.s32 s3, s2  }
0x8d: {  	s2 =	sadd.s32 s2, s17  }
0x8e: {  	[smem:$0x3FC2] =	sst s2  }
0x8f: {  	_ = 	snop  }
0x90: {  	s2 =	sld [smem:$0x3FC8]  }
0x91: {  	s18 =	sld [smem:$0x3FD0];
	(tm) =	ssettm $0x1  }
0x92: {  	s4 =	sld [smem:$0x3FFB];
	_ =	sdelay $0x3  }
0x93: {  	_ =	strace s4  }
0x94: {  	s4 =	sld [smem:$0x3FFC];
	_ =	sdelay $0x3  }
0x95: {  	_ =	strace s4  }
0x96: {  	s4 =	sld [smem:$0x3FFD];
	_ =	sdelay $0x3  }
0x97: {  	_ =	strace s4  }
0x98: {  	_ =	strace $0x8FFFFFFF  }
0x99: {  	s19 =	sld [smem:$0x3FDB];
	_ =	sdelay $0x1  }
0x9a: {  	s5 =	simm.s32 $_scs_section_size  }
0x9b: {  	s6 =	simm.s32 $_size__tile_overlayer_lowered;
	s7 =	simm.s32 $_tile_overlayer_lowered  }
0x9c: {  	s22 =	simm.s32 $0x1BFF;
	s21 =	sshll.u32 s7, $0x1;
	s4 =	sadd.s32 s5, s19  }
0x9d: {  	s8 =	simm.s32 $0x0;
	s20 =	sshll.u32 s6, $0x1;
	s6 =	sadd.s32 s21, s4  }
0x9e: {  	[timem:s8], [sflag:s22] =	dma.local [hbm:s6], s20  }
0x9f: {  	_ =	swait.ge [sflag:s22], s20  }
0xa0: {  	s5 =	ssub.s32 $0x0, s20;
	[sflag:s22] =	ssyncset.done $0x0  }
0xa1: {  	[sflag:s22] =	ssyncadd.s32 s5;
	_ =	sdelay $0x1  }
0xa2: {  	s23 =	simm.s32 $0x1B8B  }
0xa3: {  	_ =	swait.ge [sflag:s23], $0x1  }
0xa4: {  	[sflag:s23] =	ssyncset.done $0x0  }
0xa5: {  	s25 =	simm.s32 $0x1B8E;
	s24 =	sld [smem:$0x3FFE];
	[sflag:s23] =	ssyncadd.s32 $0xFFFFFFFF  }
0xa6: {  	s26 =	simm.s32 $execute0_lowered;
	[smem:$0x3FD2] =	sst s25  }
0xa7: {  	s6 =	sshll.u32 s26, $0x1;
	_ =	strace $0x80000046;
	[dreg:$0x1] =	wrdreg $0xFFFFFFFF  }
0xa8: {  	s28 =	simm.s32 $_size_execute0_lowered;
	s4 =	sadd.s32 s4, s6;
	[dreg:$0x0] =	wrdreg $0x0  }
0xa9: {  	s6 =	sshll.u32 s28, $0x1;
	[dreg:$0x2] =	wrdreg s4  }
0xaa: {  	[dreg:$0x3] =	wrdreg s6  }
0xab: {  	[dreg:$0x4] =	wrdreg $0xC0  }
0xac: {  	_ =	task [dreg:s8], $0x5FFFF  }
0xad: {  	[dreg:$0x1] =	wrdreg $0xFFFFFFFF  }
0xae: {  	[dreg:$0x0] =	wrdreg $0x60  }
0xaf: {  	[dreg:$0x2] =	wrdreg s24  }
0xb0: {  	[dreg:$0x3] =	wrdreg s2  }
0xb1: {  	[dreg:$0x4] =	wrdreg s18  }
0xb2: {  	[dreg:$0x5] =	wrdreg $0x9  }
0xb3: {  	_ =	task.clear_ibuf [dreg:s8], $0x6FFFF;
	_ =	strace $0x90000046  }
0xb4: {  	s29 =	simm.s32 $0x9;
	_ =	strace $0x80000048  }
0xb5: {  	_ =	swait.ge [sflag:s29], $0x1  }
0xb6: {  	[sflag:s29] =	ssyncadd.s32 $0xFFFFFFFF  }
0xb7: {  	_ =	strace $0x90000048  }
0xb8: {  	_ =	sfence  }
0xb9: {  	s30 =	sld [smem:$0x0];
	_ =	sdelay $0x2  }
0xba: {  	s31 =	sshll.u32 s1, $0xD;
	s1 =	sshrl.u32 s1, $0x2  }
0xbb: {  	s3 =	sand.u32 $0x4000, s31;
	s1 =	sadd.s32 s1, s30  }
0xbc: {  	s0 =	sor.u32 s3, s0;
	s1 =	sshll.u32 s1, $0x11  }
0xbd: {  	s0 =	sor.u32 s1, s0  }
0xbe: {  	s0 =	sadd.s32 $0x8F2B, s0  }
0xbf: {  	[sflag:s0] =	ssyncadd.remote.s32 $0x1  }
0xc0: {  	_ =	sfence.sel $0xFFFF  }
0xc1: {  	[dreg:$0x0] =	wrdreg $0xFFFFFFFF;
	(pc) =	sbr.abs _section_cstart, $3  }
0xc2: {  	[dreg:$0x1] =	wrdreg $0xFFFFFFFF  }
0xc3: {  	_ =	task.clear_ibuf [dreg:s8], $0x2FFFF;
	_ =	strace $0x9FFFFFFF  }
0xc4: {  	(tm) =	ssettm $0x7FFFFFFF  }
0xc5: {  	_ =	shalt  }
tec
execute0_lowered:
.L_overlay_start_1:
0x0: {  	(tag) =	ssettag $0x1  }
0x1: {  	s4 =	rddreg [dreg:$0x0]  }
0x2: {  	s2 =	rddreg [dreg:$0x1]  }
0x3: {  	s5 =	rddreg [dreg:$0x2]  }
0x4: {  	s0 =	rddreg [dreg:$0x3];
	s6 =	srdreg.scid  }
0x5: {  	s1 =	stileid.u32;
	s3 =	simm.s32 $0x0;
	s9 =	simm.s32 $0x2000  }
0x6: {  	s10 =	simm.s32 $0x80;
	s11 =	simm.s32 $0x5400;
	s12 =	simm.s32 $0x100  }
0x7: {  	s13 =	simm.s32 $0x8800;
	s14 =	simm.s32 $0x1;
	s15 =	simm.s32 $0xBC00  }
0x8: {  	s16 =	simm.s32 $0x2;
	s17 =	simm.s32 $0x3;
	s18 =	simm.s32 $0x4  }
0x9: {  	s19 =	simm.s32 $0xF000;
	s6 =	sand.u32 $0x1, s6;
	s7 =	sshll.u32 s1, $0x1  }
0xa: {  	s20 =	simm.s32 $0x0;
	[smem:$0x7FF] =	sst s3;
	s7 =	sor.u32 s6, s7  }
0xb: {  	_ =	strace $0x80000047;
	s6 =	ssub.s32 $0x2, s6;
	s8 =	sshll.u32 s7, $0xA  }
0xc: {  	s31 =	sshrl.u32 s6, $0x1;
	s7 =	sshll.u32 s7, $0xB;
	s4 =	sadd.s32 s8, s4  }
0xd: {  	s6 =	ssub.s32 s6, s31;
	s5 =	sadd.s32 s5, s7;
	s7 =	simm.s32 $0x5  }
0xe: {  	s8 =	simm.s32 $0x64;
	s4 =	sadd.s32 $0xE00, s4;
	s6 =	smax.u32 s6, $0x1  }
.LBB2_1:
0xf: {  	[tilespmem:s3], [sflag:$0x5] =	stream.linear.gather [hbm4b:s4+s3], $0x2000, $0x38;
	[tilespmem:$0x13000] =	vst v63  }
0x10: {  	_ =	swait.ge [sflag:s7], $0x2000  }
0x11: {  	[sflag:s7] =	ssyncset.done $0x0  }
0x12: {  	[sflag:s7] =	ssyncadd.s32 $0xFFFFE000  }
0x13: {  	[tilespmem:s9], [sflag:$0x1] =	stream.indirect.gather [hbm4b:s2+s8], $0x80, s3, s8, $0xb8;
	[tilespmem:$0x13000] =	vst v63  }
0x14: {  	_ = 	snop  }
0x15: {  	[tilespmem:s11], [sflag:$0x2] =	stream.indirect.gather [hbm4b:s2+s8], $0x80, s10, s8, $0xb8;
	[tilespmem:$0x13000] =	vst v63  }
0x16: {  	s21 =	simm.s32 $0x0  }
0x17: {  	[tilespmem:s13], [sflag:$0x3] =	stream.indirect.gather [hbm4b:s2+s8], $0x80, s12, s8, $0xb8;
	[tilespmem:$0x13000] =	vst v63  }
.LBB2_2:
0x18: {  	_ =	swait.ge [sflag:s14], $0x3200;
	s22 =	sshllo.u32 s21, $0x2  }
0x19: {  	[sflag:s14] =	ssyncset.done $0x0;
	s23 =	sshll.u32 s22, $0x7  }
0x1a: {  	s25 =	simm.s32 $0x0;
	[sflag:s14] =	ssyncadd.s32 $0xFFFFCE00;
	s23 =	sand.u32 $0x3FFFFF80, s23  }
0x1b: {  	[tilespmem:s15], [sflag:$0x4] =	stream.indirect.gather [hbm4b:s2+s8], $0x80, s23, s8, $0xb8;
	[tilespmem:$0x13000] =	vst v63  }
0x1c: {  	v0 =	vld [tilespmem:s25+$0x2070]  }
0x1d: {  	v1 =	vld [tilespmem:s25+$0x2000]  }
0x1e: {  	v3 =	vld [tilespmem:s25+$0x2010]  }
0x1f: {  	v12 =	vld [tilespmem:s25+$0x2020]  }
0x20: {  	v10 =	vld [tilespmem:s25+$0x2030]  }
0x21: {  	v2 =	vimm.f32 $0.0e+00;
	v6 =	vimm.f32 $0.0e+00;
	v5 =	vld [tilespmem:s25+$0x2040]  }
0x22: {  	v7 =	vimm.f32 $0.0e+00;
	v8 =	vld [tilespmem:s25+$0x2050];
	v0 =	vadd.f32 v0, v2;
	v9 =	vadd.f32 v1, v2  }
0x23: {  	s24 =	simm.s32 $0x400;
	s23 =	simm.s32 $0x80;
	v11 =	vld [tilespmem:s25+$0x2060];
	v4 =	vadd.f32 v3, v2;
	v3 =	vimm.f32 $0.0e+00;
	v1 =	vimm.f32 $0.0e+00  }
.LBB2_3:
0x24: {  	p0 =	sne.s32 s24, $0x6200;
	v13 =	vld [tilespmem:s23+$0x2070];
	v2 =	vadd.f32 v12, v2  }
0x25: {  	v14 =	vld [tilespmem:s23+$0x2000];
	v6 =	vadd.f32 v10, v6  }
0x26: {  	v15 =	vld [tilespmem:s23+$0x2010];
	v7 =	vadd.f32 v5, v7  }
.Ltmp0:
0x27: {  	v12 =	vld [tilespmem:s23+$0x2020];
	v3 =	vadd.f32 v8, v3;
	(pc) =	sbr.rel @p0 .LBB2_3-.Ltmp0, $4  }
0x28: {  	v10 =	vld [tilespmem:s23+$0x2030];
	v1 =	vadd.f32 v11, v1  }
0x29: {  	v5 =	vld [tilespmem:s23+$0x2040];
	v0 =	vadd.f32 v13, v0  }
0x2a: {  	v9 =	vadd.f32 v14, v9;
	v8 =	vld [tilespmem:s23+$0x2050]  }
0x2b: {  	v4 =	vadd.f32 v15, v4;
	v11 =	vld [tilespmem:s23+$0x2060];
	s23 =	sshra.s32 s24, $0x2;
	s24 =	sadd.s32 $0x200, s24  }
0x2c: {  	v13 =	vld [tilespmem:s23+$0x2070]  }
0x2d: {  	v14 =	vld [tilespmem:s23+$0x2000]  }
0x2e: {  	v15 =	vld [tilespmem:s23+$0x2010]  }
0x2f: {  	v16 =	vld [tilespmem:s23+$0x2020]  }
0x30: {  	v17 =	vld [tilespmem:s23+$0x2030]  }
0x31: {  	v18 =	vld [tilespmem:s23+$0x2040];
	v2 =	vadd.f32 v12, v2  }
0x32: {  	s24 =	sshll.u32 s21, $0xC;
	v6 =	vadd.f32 v10, v6;
	v10 =	vld [tilespmem:s23+$0x2060];
	v9 =	vadd.f32 v14, v9  }
0x33: {  	v12 =	vld [tilespmem:s23+$0x2050];
	s23 =	sshra.s32 s24, $0x2;
	v4 =	vadd.f32 v15, v4  }
0x34: {  	v2 =	vadd.f32 v16, v2;
	[tilespmem:s23+$0xF000] =	vst v9  }
0x35: {  	v1 =	vadd.f32 v11, v1;
	v6 =	vadd.f32 v17, v6;
	[tilespmem:s23+$0xF010] =	vst v4  }
0x36: {  	v5 =	vadd.f32 v5, v7;
	v0 =	vadd.f32 v13, v0;
	[tilespmem:s23+$0xF020] =	vst v2  }
0x37: {  	v3 =	vadd.f32 v8, v3;
	v1 =	vadd.f32 v10, v1;
	[tilespmem:s23+$0xF030] =	vst v6  }
0x38: {  	v4 =	vadd.f32 v18, v5;
	[tilespmem:s23+$0xF070] =	vst v0  }
0x39: {  	v2 =	vadd.f32 v12, v3;
	[tilespmem:s23+$0xF060] =	vst v1  }
0x3a: {  	[tilespmem:s23+$0xF040] =	vst v4  }
0x3b: {  	s26 =	simm.s32 $0x0;
	[tilespmem:s23+$0xF050] =	vst v2  }
0x3c: {  	v0 =	vld [tilespmem:s26+$0x3970]  }
0x3d: {  	v2 =	vld [tilespmem:s26+$0x3900]  }
0x3e: {  	v3 =	vld [tilespmem:s26+$0x3910]  }
0x3f: {  	v11 =	vld [tilespmem:s26+$0x3920]  }
0x40: {  	v10 =	vld [tilespmem:s26+$0x3930]  }
0x41: {  	v8 =	vimm.f32 $0.0e+00;
	v1 =	vimm.f32 $0.0e+00;
	v7 =	vld [tilespmem:s26+$0x3940]  }
0x42: {  	v6 =	vimm.f32 $0.0e+00;
	v4 =	vimm.f32 $0.0e+00;
	v9 =	vld [tilespmem:s26+$0x3950];
	v0 =	vadd.f32 v0, v1  }
0x43: {  	s25 =	simm.s32 $0x400;
	s24 =	simm.s32 $0x80;
	v12 =	vld [tilespmem:s26+$0x3960];
	v5 =	vadd.f32 v2, v1;
	v3 =	vadd.f32 v3, v1;
	v2 =	vimm.f32 $0.0e+00  }
.LBB2_5:
0x44: {  	p0 =	sne.s32 s25, $0x6200;
	v13 =	vld [tilespmem:s24+$0x3970];
	v1 =	vadd.f32 v11, v1  }
0x45: {  	v14 =	vld [tilespmem:s24+$0x3900];
	v6 =	vadd.f32 v10, v6  }
0x46: {  	v15 =	vld [tilespmem:s24+$0x3910];
	v8 =	vadd.f32 v7, v8  }
.Ltmp1:
0x47: {  	v11 =	vld [tilespmem:s24+$0x3920];
	v4 =	vadd.f32 v9, v4;
	(pc) =	sbr.rel @p0 .LBB2_5-.Ltmp1, $4  }
0x48: {  	v10 =	vld [tilespmem:s24+$0x3930];
	v2 =	vadd.f32 v12, v2  }
0x49: {  	v7 =	vld [tilespmem:s24+$0x3940];
	v0 =	vadd.f32 v13, v0  }
0x4a: {  	v5 =	vadd.f32 v14, v5;
	v9 =	vld [tilespmem:s24+$0x3950]  }
0x4b: {  	v3 =	vadd.f32 v15, v3;
	v12 =	vld [tilespmem:s24+$0x3960];
	s24 =	sshra.s32 s25, $0x2;
	s25 =	sadd.s32 $0x200, s25  }
0x4c: {  	v14 =	vld [tilespmem:s24+$0x3900]  }
0x4d: {  	v15 =	vld [tilespmem:s24+$0x3910]  }
0x4e: {  	v16 =	vld [tilespmem:s24+$0x3920]  }
0x4f: {  	v13 =	vld [tilespmem:s24+$0x3970]  }
0x50: {  	v6 =	vadd.f32 v10, v6;
	v10 =	vld [tilespmem:s24+$0x3960]  }
0x51: {  	v17 =	vld [tilespmem:s24+$0x3930];
	v1 =	vadd.f32 v11, v1;
	v5 =	vadd.f32 v14, v5  }
0x52: {  	v18 =	vld [tilespmem:s24+$0x3940];
	v3 =	vadd.f32 v15, v3  }
0x53: {  	v11 =	vld [tilespmem:s24+$0x3950];
	v2 =	vadd.f32 v12, v2;
	v1 =	vadd.f32 v16, v1;
	[tilespmem:s23+$0xF080] =	vst v5  }
0x54: {  	v0 =	vadd.f32 v13, v0;
	[tilespmem:s23+$0xF090] =	vst v3  }
0x55: {  	v7 =	vadd.f32 v7, v8;
	v2 =	vadd.f32 v10, v2;
	[tilespmem:s23+$0xF0A0] =	vst v1  }
0x56: {  	v4 =	vadd.f32 v9, v4;
	v5 =	vadd.f32 v17, v6;
	[tilespmem:s23+$0xF0F0] =	vst v0  }
0x57: {  	v3 =	vadd.f32 v18, v7;
	[tilespmem:s23+$0xF0E0] =	vst v2  }
0x58: {  	v1 =	vadd.f32 v11, v4;
	[tilespmem:s23+$0xF0B0] =	vst v5  }
0x59: {  	[tilespmem:s23+$0xF0C0] =	vst v3  }
0x5a: {  	p0 =	seq.s32 s21, $0xF;
	[tilespmem:s23+$0xF0D0] =	vst v1  }
0x5b: {  	s31 =	simm.s32 $0x0;
	s24 =	sshll.u32 @!p0 s21, $0x9;
	_ =	swait.ge [sflag:s16], $0x3200  }
0x5c: {  	s26 =	simm.s32 @!p0 $0x64;
	s24 =	sand.u32 @!p0 $0x3FFFFE00, s24;
	[sflag:s16] =	ssyncset.done $0x0  }
0x5d: {  	s28 =	simm.s32 @!p0 $0x2000;
	s25 =	sadd.s32 @!p0 $0x200, s24;
	[sflag:s16] =	ssyncadd.s32 $0xFFFFCE00  }
0x5e: {  	[tilespmem:s28], [sflag:$0x1] =	stream.indirect.gather @!p0 [hbm4b:s2+s26], $0x80, s25, s26, $0xb8;
	[tilespmem:$0x13000] =	vst v63  }
0x5f: {  	v0 =	vld [tilespmem:s31+$0x5470]  }
0x60: {  	v2 =	vld [tilespmem:s31+$0x5400]  }
0x61: {  	v3 =	vld [tilespmem:s31+$0x5410]  }
0x62: {  	v11 =	vld [tilespmem:s31+$0x5420]  }
0x63: {  	v10 =	vld [tilespmem:s31+$0x5430]  }
0x64: {  	v8 =	vimm.f32 $0.0e+00;
	v1 =	vimm.f32 $0.0e+00;
	v7 =	vld [tilespmem:s31+$0x5440]  }
0x65: {  	v6 =	vimm.f32 $0.0e+00;
	v4 =	vimm.f32 $0.0e+00;
	v9 =	vld [tilespmem:s31+$0x5450];
	v0 =	vadd.f32 v0, v1  }
0x66: {  	s25 =	simm.s32 $0x80;
	s26 =	simm.s32 $0x400;
	v12 =	vld [tilespmem:s31+$0x5460];
	v5 =	vadd.f32 v2, v1;
	v3 =	vadd.f32 v3, v1;
	v2 =	vimm.f32 $0.0e+00  }
.LBB2_7:
0x67: {  	p1 =	sne.s32 s26, $0x6200;
	v13 =	vld [tilespmem:s25+$0x5470];
	v1 =	vadd.f32 v11, v1  }
0x68: {  	v14 =	vld [tilespmem:s25+$0x5400];
	v6 =	vadd.f32 v10, v6  }
0x69: {  	v15 =	vld [tilespmem:s25+$0x5410];
	v8 =	vadd.f32 v7, v8  }
.Ltmp2:
0x6a: {  	v11 =	vld [tilespmem:s25+$0x5420];
	v4 =	vadd.f32 v9, v4;
	(pc) =	sbr.rel @p1 .LBB2_7-.Ltmp2, $4  }
0x6b: {  	v10 =	vld [tilespmem:s25+$0x5430];
	v2 =	vadd.f32 v12, v2  }
0x6c: {  	v7 =	vld [tilespmem:s25+$0x5440];
	v0 =	vadd.f32 v13, v0  }
0x6d: {  	v5 =	vadd.f32 v14, v5;
	v9 =	vld [tilespmem:s25+$0x5450]  }
0x6e: {  	v3 =	vadd.f32 v15, v3;
	v12 =	vld [tilespmem:s25+$0x5460];
	s25 =	sshra.s32 s26, $0x2;
	s26 =	sadd.s32 $0x200, s26  }
0x6f: {  	v14 =	vld [tilespmem:s25+$0x5400]  }
0x70: {  	v15 =	vld [tilespmem:s25+$0x5410]  }
0x71: {  	v16 =	vld [tilespmem:s25+$0x5420]  }
0x72: {  	v13 =	vld [tilespmem:s25+$0x5470]  }
0x73: {  	v6 =	vadd.f32 v10, v6;
	v10 =	vld [tilespmem:s25+$0x5460]  }
0x74: {  	v17 =	vld [tilespmem:s25+$0x5430];
	v1 =	vadd.f32 v11, v1;
	v5 =	vadd.f32 v14, v5  }
0x75: {  	v18 =	vld [tilespmem:s25+$0x5440];
	v3 =	vadd.f32 v15, v3  }
0x76: {  	v11 =	vld [tilespmem:s25+$0x5450];
	v2 =	vadd.f32 v12, v2;
	v1 =	vadd.f32 v16, v1;
	[tilespmem:s23+$0xF100] =	vst v5  }
0x77: {  	v0 =	vadd.f32 v13, v0;
	[tilespmem:s23+$0xF110] =	vst v3  }
0x78: {  	v7 =	vadd.f32 v7, v8;
	v2 =	vadd.f32 v10, v2;
	[tilespmem:s23+$0xF120] =	vst v1  }
0x79: {  	v4 =	vadd.f32 v9, v4;
	v5 =	vadd.f32 v17, v6;
	[tilespmem:s23+$0xF170] =	vst v0  }
0x7a: {  	v3 =	vadd.f32 v18, v7;
	[tilespmem:s23+$0xF160] =	vst v2  }
0x7b: {  	v1 =	vadd.f32 v11, v4;
	[tilespmem:s23+$0xF130] =	vst v5  }
0x7c: {  	[tilespmem:s23+$0xF140] =	vst v3  }
0x7d: {  	s28 =	simm.s32 $0x0;
	[tilespmem:s23+$0xF150] =	vst v1  }
0x7e: {  	v0 =	vld [tilespmem:s28+$0x6D70]  }
0x7f: {  	v2 =	vld [tilespmem:s28+$0x6D00]  }
0x80: {  	v3 =	vld [tilespmem:s28+$0x6D10]  }
0x81: {  	v11 =	vld [tilespmem:s28+$0x6D20]  }
0x82: {  	v10 =	vld [tilespmem:s28+$0x6D30]  }
0x83: {  	v8 =	vimm.f32 $0.0e+00;
	v1 =	vimm.f32 $0.0e+00;
	v7 =	vld [tilespmem:s28+$0x6D40]  }
0x84: {  	v6 =	vimm.f32 $0.0e+00;
	v4 =	vimm.f32 $0.0e+00;
	v9 =	vld [tilespmem:s28+$0x6D50];
	v0 =	vadd.f32 v0, v1  }
0x85: {  	s26 =	simm.s32 $0x400;
	s25 =	simm.s32 $0x80;
	v12 =	vld [tilespmem:s28+$0x6D60];
	v5 =	vadd.f32 v2, v1;
	v3 =	vadd.f32 v3, v1;
	v2 =	vimm.f32 $0.0e+00  }
.LBB2_9:
0x86: {  	p1 =	sne.s32 s26, $0x6200;
	v13 =	vld [tilespmem:s25+$0x6D70];
	v1 =	vadd.f32 v11, v1  }
0x87: {  	v14 =	vld [tilespmem:s25+$0x6D00];
	v6 =	vadd.f32 v10, v6  }
0x88: {  	v15 =	vld [tilespmem:s25+$0x6D10];
	v8 =	vadd.f32 v7, v8  }
.Ltmp3:
0x89: {  	v11 =	vld [tilespmem:s25+$0x6D20];
	v4 =	vadd.f32 v9, v4;
	(pc) =	sbr.rel @p1 .LBB2_9-.Ltmp3, $4  }
0x8a: {  	v10 =	vld [tilespmem:s25+$0x6D30];
	v2 =	vadd.f32 v12, v2  }
0x8b: {  	v7 =	vld [tilespmem:s25+$0x6D40];
	v0 =	vadd.f32 v13, v0  }
0x8c: {  	v5 =	vadd.f32 v14, v5;
	v9 =	vld [tilespmem:s25+$0x6D50]  }
0x8d: {  	v3 =	vadd.f32 v15, v3;
	v12 =	vld [tilespmem:s25+$0x6D60];
	s25 =	sshra.s32 s26, $0x2;
	s26 =	sadd.s32 $0x200, s26  }
0x8e: {  	v14 =	vld [tilespmem:s25+$0x6D00]  }
0x8f: {  	v15 =	vld [tilespmem:s25+$0x6D10]  }
0x90: {  	v16 =	vld [tilespmem:s25+$0x6D20]  }
0x91: {  	v13 =	vld [tilespmem:s25+$0x6D70]  }
0x92: {  	v6 =	vadd.f32 v10, v6;
	v10 =	vld [tilespmem:s25+$0x6D60]  }
0x93: {  	v17 =	vld [tilespmem:s25+$0x6D30];
	v1 =	vadd.f32 v11, v1;
	v5 =	vadd.f32 v14, v5  }
0x94: {  	v18 =	vld [tilespmem:s25+$0x6D40];
	v3 =	vadd.f32 v15, v3  }
0x95: {  	v11 =	vld [tilespmem:s25+$0x6D50];
	v2 =	vadd.f32 v12, v2;
	v1 =	vadd.f32 v16, v1;
	[tilespmem:s23+$0xF180] =	vst v5  }
0x96: {  	v0 =	vadd.f32 v13, v0;
	[tilespmem:s23+$0xF190] =	vst v3  }
0x97: {  	v7 =	vadd.f32 v7, v8;
	v2 =	vadd.f32 v10, v2;
	[tilespmem:s23+$0xF1A0] =	vst v1  }
0x98: {  	v4 =	vadd.f32 v9, v4;
	v5 =	vadd.f32 v17, v6;
	[tilespmem:s23+$0xF1F0] =	vst v0  }
0x99: {  	v3 =	vadd.f32 v18, v7;
	[tilespmem:s23+$0xF1E0] =	vst v2  }
0x9a: {  	v1 =	vadd.f32 v11, v4;
	[tilespmem:s23+$0xF1B0] =	vst v5  }
0x9b: {  	[tilespmem:s23+$0xF1C0] =	vst v3  }
0x9c: {  	[tilespmem:s23+$0xF1D0] =	vst v1  }
0x9d: {  	_ =	swait.ge [sflag:s17], $0x3200  }
0x9e: {  	s26 =	simm.s32 @!p0 $0x64;
	s28 =	simm.s32 @!p0 $0x5400;
	[sflag:s17] =	ssyncset.done $0x0  }
0x9f: {  	s31 =	simm.s32 $0x0;
	s25 =	sadd.s32 @!p0 $0x280, s24;
	[sflag:s17] =	ssyncadd.s32 $0xFFFFCE00  }
0xa0: {  	[tilespmem:s28], [sflag:$0x2] =	stream.indirect.gather @!p0 [hbm4b:s2+s26], $0x80, s25, s26, $0xb8;
	[tilespmem:$0x13000] =	vst v63  }
0xa1: {  	v0 =	vld [tilespmem:s31+$0x8870]  }
0xa2: {  	v2 =	vld [tilespmem:s31+$0x8800]  }
0xa3: {  	v3 =	vld [tilespmem:s31+$0x8810]  }
0xa4: {  	v11 =	vld [tilespmem:s31+$0x8820]  }
0xa5: {  	v10 =	vld [tilespmem:s31+$0x8830]  }
0xa6: {  	v8 =	vimm.f32 $0.0e+00;
	v1 =	vimm.f32 $0.0e+00;
	v7 =	vld [tilespmem:s31+$0x8840]  }
0xa7: {  	v6 =	vimm.f32 $0.0e+00;
	v4 =	vimm.f32 $0.0e+00;
	v9 =	vld [tilespmem:s31+$0x8850];
	v0 =	vadd.f32 v0, v1  }
0xa8: {  	s25 =	simm.s32 $0x80;
	s26 =	simm.s32 $0x400;
	v12 =	vld [tilespmem:s31+$0x8860];
	v5 =	vadd.f32 v2, v1;
	v3 =	vadd.f32 v3, v1;
	v2 =	vimm.f32 $0.0e+00  }
.LBB2_11:
0xa9: {  	p1 =	sne.s32 s26, $0x6200;
	v13 =	vld [tilespmem:s25+$0x8870];
	v1 =	vadd.f32 v11, v1  }
0xaa: {  	v14 =	vld [tilespmem:s25+$0x8800];
	v6 =	vadd.f32 v10, v6  }
0xab: {  	v15 =	vld [tilespmem:s25+$0x8810];
	v8 =	vadd.f32 v7, v8  }
.Ltmp4:
0xac: {  	v11 =	vld [tilespmem:s25+$0x8820];
	v4 =	vadd.f32 v9, v4;
	(pc) =	sbr.rel @p1 .LBB2_11-.Ltmp4, $4  }
0xad: {  	v10 =	vld [tilespmem:s25+$0x8830];
	v2 =	vadd.f32 v12, v2  }
0xae: {  	v7 =	vld [tilespmem:s25+$0x8840];
	v0 =	vadd.f32 v13, v0  }
0xaf: {  	v5 =	vadd.f32 v14, v5;
	v9 =	vld [tilespmem:s25+$0x8850]  }
0xb0: {  	v3 =	vadd.f32 v15, v3;
	v12 =	vld [tilespmem:s25+$0x8860];
	s25 =	sshra.s32 s26, $0x2;
	s26 =	sadd.s32 $0x200, s26  }
0xb1: {  	v14 =	vld [tilespmem:s25+$0x8800]  }
0xb2: {  	v15 =	vld [tilespmem:s25+$0x8810]  }
0xb3: {  	v16 =	vld [tilespmem:s25+$0x8820]  }
0xb4: {  	v13 =	vld [tilespmem:s25+$0x8870]  }
0xb5: {  	v6 =	vadd.f32 v10, v6;
	v10 =	vld [tilespmem:s25+$0x8860]  }
0xb6: {  	v17 =	vld [tilespmem:s25+$0x8830];
	v1 =	vadd.f32 v11, v1;
	v5 =	vadd.f32 v14, v5  }
0xb7: {  	v18 =	vld [tilespmem:s25+$0x8840];
	v3 =	vadd.f32 v15, v3  }
0xb8: {  	v11 =	vld [tilespmem:s25+$0x8850];
	v2 =	vadd.f32 v12, v2;
	v1 =	vadd.f32 v16, v1;
	[tilespmem:s23+$0xF200] =	vst v5  }
0xb9: {  	v0 =	vadd.f32 v13, v0;
	[tilespmem:s23+$0xF210] =	vst v3  }
0xba: {  	v7 =	vadd.f32 v7, v8;
	v2 =	vadd.f32 v10, v2;
	[tilespmem:s23+$0xF220] =	vst v1  }
0xbb: {  	v4 =	vadd.f32 v9, v4;
	v5 =	vadd.f32 v17, v6;
	[tilespmem:s23+$0xF270] =	vst v0  }
0xbc: {  	v3 =	vadd.f32 v18, v7;
	[tilespmem:s23+$0xF260] =	vst v2  }
0xbd: {  	v1 =	vadd.f32 v11, v4;
	[tilespmem:s23+$0xF230] =	vst v5  }
0xbe: {  	[tilespmem:s23+$0xF240] =	vst v3  }
0xbf: {  	s28 =	simm.s32 $0x0;
	[tilespmem:s23+$0xF250] =	vst v1  }
0xc0: {  	v0 =	vld [tilespmem:s28+$0xA170]  }
0xc1: {  	v2 =	vld [tilespmem:s28+$0xA100]  }
0xc2: {  	v3 =	vld [tilespmem:s28+$0xA110]  }
0xc3: {  	v11 =	vld [tilespmem:s28+$0xA120]  }
0xc4: {  	v10 =	vld [tilespmem:s28+$0xA130]  }
0xc5: {  	v8 =	vimm.f32 $0.0e+00;
	v1 =	vimm.f32 $0.0e+00;
	v7 =	vld [tilespmem:s28+$0xA140]  }
0xc6: {  	v6 =	vimm.f32 $0.0e+00;
	v4 =	vimm.f32 $0.0e+00;
	v9 =	vld [tilespmem:s28+$0xA150];
	v0 =	vadd.f32 v0, v1  }
0xc7: {  	s26 =	simm.s32 $0x400;
	s25 =	simm.s32 $0x80;
	v12 =	vld [tilespmem:s28+$0xA160];
	v5 =	vadd.f32 v2, v1;
	v3 =	vadd.f32 v3, v1;
	v2 =	vimm.f32 $0.0e+00  }
.LBB2_13:
0xc8: {  	p1 =	sne.s32 s26, $0x6200;
	v13 =	vld [tilespmem:s25+$0xA170];
	v1 =	vadd.f32 v11, v1  }
0xc9: {  	v14 =	vld [tilespmem:s25+$0xA100];
	v6 =	vadd.f32 v10, v6  }
0xca: {  	v15 =	vld [tilespmem:s25+$0xA110];
	v8 =	vadd.f32 v7, v8  }
.Ltmp5:
0xcb: {  	v11 =	vld [tilespmem:s25+$0xA120];
	v4 =	vadd.f32 v9, v4;
	(pc) =	sbr.rel @p1 .LBB2_13-.Ltmp5, $4  }
0xcc: {  	v10 =	vld [tilespmem:s25+$0xA130];
	v2 =	vadd.f32 v12, v2  }
0xcd: {  	v7 =	vld [tilespmem:s25+$0xA140];
	v0 =	vadd.f32 v13, v0  }
0xce: {  	v5 =	vadd.f32 v14, v5;
	v9 =	vld [tilespmem:s25+$0xA150]  }
0xcf: {  	v3 =	vadd.f32 v15, v3;
	v12 =	vld [tilespmem:s25+$0xA160];
	s25 =	sshra.s32 s26, $0x2;
	s26 =	sadd.s32 $0x200, s26  }
0xd0: {  	v14 =	vld [tilespmem:s25+$0xA100]  }
0xd1: {  	v15 =	vld [tilespmem:s25+$0xA110]  }
0xd2: {  	v16 =	vld [tilespmem:s25+$0xA120]  }
0xd3: {  	v13 =	vld [tilespmem:s25+$0xA170]  }
0xd4: {  	v6 =	vadd.f32 v10, v6;
	v10 =	vld [tilespmem:s25+$0xA160]  }
0xd5: {  	v17 =	vld [tilespmem:s25+$0xA130];
	v1 =	vadd.f32 v11, v1;
	v5 =	vadd.f32 v14, v5  }
0xd6: {  	v18 =	vld [tilespmem:s25+$0xA140];
	v3 =	vadd.f32 v15, v3  }
0xd7: {  	v11 =	vld [tilespmem:s25+$0xA150];
	v2 =	vadd.f32 v12, v2;
	v1 =	vadd.f32 v16, v1;
	[tilespmem:s23+$0xF280] =	vst v5  }
0xd8: {  	v0 =	vadd.f32 v13, v0;
	[tilespmem:s23+$0xF290] =	vst v3  }
0xd9: {  	v7 =	vadd.f32 v7, v8;
	v2 =	vadd.f32 v10, v2;
	[tilespmem:s23+$0xF2A0] =	vst v1  }
0xda: {  	v4 =	vadd.f32 v9, v4;
	v5 =	vadd.f32 v17, v6;
	[tilespmem:s23+$0xF2F0] =	vst v0  }
0xdb: {  	v3 =	vadd.f32 v18, v7;
	[tilespmem:s23+$0xF2E0] =	vst v2  }
0xdc: {  	v1 =	vadd.f32 v11, v4;
	[tilespmem:s23+$0xF2B0] =	vst v5  }
0xdd: {  	[tilespmem:s23+$0xF2C0] =	vst v3  }
0xde: {  	[tilespmem:s23+$0xF2D0] =	vst v1  }
0xdf: {  	_ =	swait.ge [sflag:s18], $0x3200  }
0xe0: {  	s31 =	simm.s32 $0x0;
	s25 =	simm.s32 @!p0 $0x8800;
	[sflag:s18] =	ssyncset.done $0x0  }
0xe1: {  	s23 =	sadd.s32 @!p0 $0x300, s24;
	s24 =	simm.s32 @!p0 $0x64;
	[sflag:s18] =	ssyncadd.s32 $0xFFFFCE00  }
0xe2: {  	[tilespmem:s25], [sflag:$0x3] =	stream.indirect.gather @!p0 [hbm4b:s2+s24], $0x80, s23, s24, $0xb8;
	[tilespmem:$0x13000] =	vst v63  }
0xe3: {  	v0 =	vld [tilespmem:s31+$0xBC70]  }
0xe4: {  	v1 =	vld [tilespmem:s31+$0xBC00]  }
0xe5: {  	v3 =	vld [tilespmem:s31+$0xBC10]  }
0xe6: {  	v12 =	vld [tilespmem:s31+$0xBC20]  }
0xe7: {  	v10 =	vld [tilespmem:s31+$0xBC30]  }
0xe8: {  	v6 =	vimm.f32 $0.0e+00;
	v2 =	vimm.f32 $0.0e+00;
	v5 =	vld [tilespmem:s31+$0xBC40]  }
0xe9: {  	v7 =	vimm.f32 $0.0e+00;
	v8 =	vld [tilespmem:s31+$0xBC50];
	v0 =	vadd.f32 v0, v2;
	v9 =	vadd.f32 v1, v2  }
0xea: {  	s23 =	simm.s32 $0x80;
	s24 =	simm.s32 $0x400;
	v11 =	vld [tilespmem:s31+$0xBC60];
	v4 =	vadd.f32 v3, v2;
	v3 =	vimm.f32 $0.0e+00;
	v1 =	vimm.f32 $0.0e+00  }
.LBB2_15:
0xeb: {  	p0 =	sne.s32 s24, $0x6200;
	v13 =	vld [tilespmem:s23+$0xBC70];
	v2 =	vadd.f32 v12, v2  }
0xec: {  	v14 =	vld [tilespmem:s23+$0xBC00];
	v6 =	vadd.f32 v10, v6  }
0xed: {  	v15 =	vld [tilespmem:s23+$0xBC10];
	v7 =	vadd.f32 v5, v7  }
.Ltmp6:
0xee: {  	v12 =	vld [tilespmem:s23+$0xBC20];
	v3 =	vadd.f32 v8, v3;
	(pc) =	sbr.rel @p0 .LBB2_15-.Ltmp6, $4  }
0xef: {  	v10 =	vld [tilespmem:s23+$0xBC30];
	v1 =	vadd.f32 v11, v1  }
0xf0: {  	v5 =	vld [tilespmem:s23+$0xBC40];
	v0 =	vadd.f32 v13, v0  }
0xf1: {  	v9 =	vadd.f32 v14, v9;
	v8 =	vld [tilespmem:s23+$0xBC50]  }
0xf2: {  	v4 =	vadd.f32 v15, v4;
	v11 =	vld [tilespmem:s23+$0xBC60];
	s23 =	sshra.s32 s24, $0x2;
	s24 =	sadd.s32 $0x200, s24  }
0xf3: {  	v14 =	vld [tilespmem:s23+$0xBC00]  }
0xf4: {  	v15 =	vld [tilespmem:s23+$0xBC10]  }
0xf5: {  	v16 =	vld [tilespmem:s23+$0xBC20]  }
0xf6: {  	v17 =	vld [tilespmem:s23+$0xBC30]  }
0xf7: {  	v13 =	vld [tilespmem:s23+$0xBC70];
	v2 =	vadd.f32 v12, v2  }
0xf8: {  	s22 =	sshll.u32 s22, $0x8;
	v6 =	vadd.f32 v10, v6;
	v10 =	vld [tilespmem:s23+$0xBC60];
	v9 =	vadd.f32 v14, v9  }
0xf9: {  	v18 =	vld [tilespmem:s23+$0xBC40];
	s22 =	sand.u32 $0x3FFFFF00, s22;
	v4 =	vadd.f32 v15, v4  }
0xfa: {  	v12 =	vld [tilespmem:s23+$0xBC50];
	v2 =	vadd.f32 v16, v2;
	[tilespmem:s22+$0xF000] =	vst v9  }
0xfb: {  	v1 =	vadd.f32 v11, v1;
	v6 =	vadd.f32 v17, v6;
	[tilespmem:s22+$0xF010] =	vst v4  }
0xfc: {  	v5 =	vadd.f32 v5, v7;
	v0 =	vadd.f32 v13, v0;
	[tilespmem:s22+$0xF020] =	vst v2  }
0xfd: {  	v3 =	vadd.f32 v8, v3;
	v1 =	vadd.f32 v10, v1;
	[tilespmem:s22+$0xF030] =	vst v6  }
0xfe: {  	v4 =	vadd.f32 v18, v5;
	[tilespmem:s22+$0xF070] =	vst v0  }
0xff: {  	v2 =	vadd.f32 v12, v3;
	[tilespmem:s22+$0xF060] =	vst v1  }
0x100: {  	[tilespmem:s22+$0xF040] =	vst v4  }
0x101: {  	s25 =	simm.s32 $0x0;
	[tilespmem:s22+$0xF050] =	vst v2  }
0x102: {  	v0 =	vld [tilespmem:s25+$0xD570]  }
0x103: {  	v2 =	vld [tilespmem:s25+$0xD500]  }
0x104: {  	v3 =	vld [tilespmem:s25+$0xD510]  }
0x105: {  	v11 =	vld [tilespmem:s25+$0xD520]  }
0x106: {  	v10 =	vld [tilespmem:s25+$0xD530]  }
0x107: {  	v8 =	vimm.f32 $0.0e+00;
	v1 =	vimm.f32 $0.0e+00;
	v7 =	vld [tilespmem:s25+$0xD540]  }
0x108: {  	v6 =	vimm.f32 $0.0e+00;
	v4 =	vimm.f32 $0.0e+00;
	v9 =	vld [tilespmem:s25+$0xD550];
	v0 =	vadd.f32 v0, v1  }
0x109: {  	s24 =	simm.s32 $0x400;
	s23 =	simm.s32 $0x80;
	v12 =	vld [tilespmem:s25+$0xD560];
	v5 =	vadd.f32 v2, v1;
	v3 =	vadd.f32 v3, v1;
	v2 =	vimm.f32 $0.0e+00  }
.LBB2_17:
0x10a: {  	p0 =	sne.s32 s24, $0x6200;
	v13 =	vld [tilespmem:s23+$0xD570];
	v1 =	vadd.f32 v11, v1  }
0x10b: {  	v14 =	vld [tilespmem:s23+$0xD500];
	v6 =	vadd.f32 v10, v6  }
0x10c: {  	v15 =	vld [tilespmem:s23+$0xD510];
	v8 =	vadd.f32 v7, v8  }
.Ltmp7:
0x10d: {  	v11 =	vld [tilespmem:s23+$0xD520];
	v4 =	vadd.f32 v9, v4;
	(pc) =	sbr.rel @p0 .LBB2_17-.Ltmp7, $4  }
0x10e: {  	v10 =	vld [tilespmem:s23+$0xD530];
	v2 =	vadd.f32 v12, v2  }
0x10f: {  	v7 =	vld [tilespmem:s23+$0xD540];
	v0 =	vadd.f32 v13, v0  }
0x110: {  	v5 =	vadd.f32 v14, v5;
	v9 =	vld [tilespmem:s23+$0xD550]  }
0x111: {  	v3 =	vadd.f32 v15, v3;
	v12 =	vld [tilespmem:s23+$0xD560];
	s23 =	sshra.s32 s24, $0x2;
	s24 =	sadd.s32 $0x200, s24  }
0x112: {  	v14 =	vld [tilespmem:s23+$0xD500]  }
0x113: {  	v15 =	vld [tilespmem:s23+$0xD510]  }
0x114: {  	v16 =	vld [tilespmem:s23+$0xD520]  }
0x115: {  	v17 =	vld [tilespmem:s23+$0xD530]  }
0x116: {  	v18 =	vld [tilespmem:s23+$0xD540]  }
0x117: {  	v1 =	vadd.f32 v11, v1;
	v59 =	vld [tilespmem:s23+$0xD550];
	v5 =	vadd.f32 v14, v5  }
0x118: {  	v13 =	vld [tilespmem:s23+$0xD570];
	v6 =	vadd.f32 v10, v6;
	v3 =	vadd.f32 v15, v3  }
0x119: {  	v60 =	vld [tilespmem:s23+$0xD560];
	v7 =	vadd.f32 v7, v8;
	v1 =	vadd.f32 v16, v1;
	[tilespmem:s22+$0xF080] =	vst v5  }
0x11a: {  	s21 =	sadd.s32 $0x1, s21;
	v4 =	vadd.f32 v9, v4;
	v61 =	vadd.f32 v17, v6;
	[tilespmem:s22+$0xF090] =	vst v3  }
0x11b: {  	p0 =	sne.s32 s21, $0x10;
	v62 =	vadd.f32 v18, v7;
	[tilespmem:s22+$0xF0A0] =	vst v1  }
.Ltmp8:
0x11c: {  	v2 =	vadd.f32 v12, v2;
	v63 =	vadd.f32 v59, v4;
	[tilespmem:s22+$0xF0B0] =	vst v61;
	(pc) =	sbr.rel @p0 .LBB2_2-.Ltmp8, $4  }
0x11d: {  	v0 =	vadd.f32 v13, v0;
	[tilespmem:s22+$0xF0C0] =	vst v62  }
0x11e: {  	v2 =	vadd.f32 v60, v2;
	[tilespmem:s22+$0xF0D0] =	vst v63  }
0x11f: {  	[tilespmem:s22+$0xF0F0] =	vst v0  }
0x120: {  	[tilespmem:s22+$0xF0E0] =	vst v2  }
0x121: {  	s20 =	sadd.s32 $0x1, s20  }
0x122: {  	p0 =	sne.s32 s20, s6  }
.Ltmp9:
0x123: {  	_ = 	snop;
	(pc) =	sbr.rel @p0 .LBB2_1-.Ltmp9, $4  }
0x124: {  	[hbm4b:s5+s3] =	stream.linear.scatter [tilespmem:s19], [sflag:$0x5], $0x4000, $0x38;
	[tilespmem:$0x13000] =	vst v63  }
0x125: {  	_ =	swait.ge [sflag:s7], $0x4000  }
0x126: {  	[sflag:s7] =	ssyncset.done $0x0  }
0x127: {  	[sflag:s7] =	ssyncadd.s32 $0xFFFFC000  }
0x128: {  	_ =	sfence.sel $0x180000  }
0x129: {  	[bflag:$0x0] =	sbarrier.arrive $0xFFFF  }
0x12a: {  	p0 =	sne.s32 s1, $0x0;
	_ =	strace $0x90000047  }
0x12b: {  	s0 =	sadd.s32 @!p0 $0x100000, s0;
	[bflag:$0x2] =	sbarrier.arrive $0xFFFF  }
0x12c: {  	[sflag:s0] =	ssyncadd.tile.s32 @!p0 $0x1;
	_ =	shalt  }
.Lfunc_end2:
_tile_overlayer_lowered:
.L_overlay_start_2:
0x12d: {  	(tag) =	ssettag $0x2  }
0x12e: {  	s0 =	rddreg [dreg:$0x0];
	s2 =	stileid.u32  }
0x12f: {  	s1 =	rddreg [dreg:$0x1];
	p0 =	sne.s32 s2, $0x0  }
0x130: {  	s3 =	rddreg [dreg:$0x2];
	[bflag:$0x3] =	sbarrier.arrive $0xFFFF;
	s2 =	simm.s32 @!p0 $0x1C05  }
0x131: {  	[timem:s3], [sflag:s2] =	dma.local @!p0 [hbm:s0], s1  }
0x132: {  	s0 =	simm.s32 @!p0 $0x5  }
0x133: {  	_ =	swait.ge @!p0 [sflag:s0], s1  }
0x134: {  	s1 =	ssub.s32 @!p0 $0x0, s1;
	[sflag:s0] =	ssyncset.done @!p0 $0x0  }
0x135: {  	[sflag:s0] =	ssyncadd.s32 @!p0 s1  }
0x136: {  	[bflag:$0x3] =	sbarrier.arrive $0xFFFF  }
0x137: {  	_ =	shalt  }

</sc_bundles>
